<compile_context>
chip_gen: v7x
topology: tpu7x:2x2x1
jax: 0.10.2.dev20260603
libtpu: 0.0.44.dev20260713+nightly
codegen_flags: <defaults>
</compile_context>

<pallas_src>
import jax
import jax.numpy as jnp
from jax import lax
from jax.experimental import pallas as pl
from jax.experimental.pallas import tpu as pltpu
from jax.experimental.pallas import tpu_sc as plsc

N_NODES = 10000
N_EDGES = 320000
D = 128
DW = 144
NC, NS = 2, 16
NW = NC * NS
NPAD = 10240
NHALF = NPAD // 2
DUMPR = 128
ACCR = NHALF + DUMPR
RPT1 = ACCR // NS

EPT1 = N_EDGES // NS
C1 = 400
NCHUNK1 = EPT1 // C1

EPW = N_EDGES // NW
C3 = 80
NCHUNK3 = EPW // C3
CP = 80
NCHUNKP = EPW // CP

_mesh = plsc.VectorSubcoreMesh(
    core_axis_name="c", subcore_axis_name="s", num_cores=NC, num_subcores=NS
)
_sc_params = pltpu.CompilerParams(
    needs_layout_passes=False, use_tc_tiling_on_sc=False
)



def _sums_body(edge_hbm, idx_hbm, z_hbm, onescol_hbm, out_hbm,
               ebuf, ibuf, wbuf, acc):
    cid = lax.axis_index("c")
    sid = lax.axis_index("s")
    r0 = sid * RPT1
    pltpu.sync_copy(z_hbm.at[pl.ds(r0, RPT1)], acc.at[pl.ds(r0, RPT1)])

    lanes = lax.iota(jnp.int32, 16)
    pltpu.sync_copy(onescol_hbm, ebuf.at[pl.ds(0, C1), pl.ds(D, 16)])
    plsc.subcore_barrier()

    lo = cid * NHALF
    base0 = sid * EPT1

    def chunk(c, carry):
        base = base0 + c * C1
        pltpu.sync_copy(idx_hbm.at[pl.ds(base, C1)], ibuf)
        pltpu.sync_copy(edge_hbm.at[pl.ds(base, C1)],
                        ebuf.at[pl.ds(0, C1), pl.ds(0, D)])

        def grp(j, cc):
            iv = ibuf[pl.ds(j * 16, 16)]
            local = iv - lo
            ok = (local >= 0) & (local < NHALF)
            wbuf[pl.ds(j * 16, 16)] = jnp.where(ok, local, NHALF + lanes)
            return cc

        lax.fori_loop(0, C1 // 16, grp, 0)
        pltpu.sync_copy(ebuf, acc.at[wbuf], add=True)
        return carry

    lax.fori_loop(0, NCHUNK1, chunk, 0)
    plsc.subcore_barrier()
    pltpu.sync_copy(acc.at[pl.ds(r0, RPT1)],
                    out_hbm.at[cid, pl.ds(r0, RPT1)])


_sums_call = pl.kernel(
    _sums_body,
    out_type=jax.ShapeDtypeStruct((NC, ACCR, DW), jnp.float32),
    mesh=_mesh,
    scratch_types=(
        pltpu.VMEM((C1, DW), jnp.float32),
        pltpu.VMEM((C1,), jnp.int32),
        pltpu.VMEM((C1,), jnp.int32),
        pltpu.VMEM_SHARED((ACCR, DW), jnp.float32),
    ),
    compiler_params=_sc_params,
)



BN = 256


def _combine_body(s_ref, na_ref, w0a_ref, w0b_ref, b0_ref,
                  wuv_ref, buv_ref, h_ref, uv_ref):
    s = s_ref[...]
    cnt = s[:, D:D + 1]
    mean = s[:, 0:D] / jnp.maximum(cnt, 1.0)
    acc = jnp.dot(na_ref[...], w0a_ref[...], preferred_element_type=jnp.float32)
    acc = acc + jnp.dot(mean, w0b_ref[...], preferred_element_type=jnp.float32)
    h = jax.nn.sigmoid(acc + b0_ref[...])
    h_ref[...] = h
    uv_ref[...] = jnp.dot(h, wuv_ref[...], preferred_element_type=jnp.float32) + buv_ref[...]


_combine_call = pl.pallas_call(
    _combine_body,
    grid=(NPAD // BN,),
    in_specs=[
        pl.BlockSpec((BN, DW), lambda i: (i, 0)),
        pl.BlockSpec((BN, D), lambda i: (i, 0)),
        pl.BlockSpec((D, D), lambda i: (0, 0)),
        pl.BlockSpec((D, D), lambda i: (0, 0)),
        pl.BlockSpec((1, D), lambda i: (0, 0)),
        pl.BlockSpec((D, 16), lambda i: (0, 0)),
        pl.BlockSpec((1, 16), lambda i: (0, 0)),
    ],
    out_specs=[
        pl.BlockSpec((BN, D), lambda i: (i, 0)),
        pl.BlockSpec((BN, 16), lambda i: (i, 0)),
    ],
    out_shape=[
        jax.ShapeDtypeStruct((NPAD, D), jnp.float32),
        jax.ShapeDtypeStruct((NPAD, 16), jnp.float32),
    ],
)



def _emb_body(h_hbm, src_hbm, dst_hbm, emb_hbm, sbuf, dbuf, rowss, rowsd, sem):
    cid = lax.axis_index("c")
    sid = lax.axis_index("s")
    wid = cid * NS + sid
    base0 = wid * EPW

    def chunk(c, carry):
        base = base0 + c * C3
        pltpu.sync_copy(src_hbm.at[pl.ds(base, C3)], sbuf)
        pltpu.sync_copy(dst_hbm.at[pl.ds(base, C3)], dbuf)
        cps = pltpu.async_copy(h_hbm.at[sbuf], rowss, sem)
        cpd = pltpu.async_copy(h_hbm.at[dbuf], rowsd, sem)
        cps.wait()
        cpd.wait()
        pltpu.sync_copy(rowss, emb_hbm.at[pl.ds(base, C3), pl.ds(0, D)])
        pltpu.sync_copy(rowsd, emb_hbm.at[pl.ds(base, C3), pl.ds(D, D)])
        return carry

    lax.fori_loop(0, NCHUNK3, chunk, 0)


_emb_call = pl.kernel(
    _emb_body,
    out_type=jax.ShapeDtypeStruct((N_EDGES, 2 * D), jnp.float32),
    mesh=_mesh,
    scratch_types=(
        pltpu.VMEM((C3,), jnp.int32),
        pltpu.VMEM((C3,), jnp.int32),
        pltpu.VMEM((C3, D), jnp.float32),
        pltpu.VMEM((C3, D), jnp.float32),
        pltpu.SemaphoreType.DMA,
    ),
)



def _probs_body(uv_hbm, ii_hbm, probs_hbm, iibuf, uvrows, pbuf, sem):
    cid = lax.axis_index("c")
    sid = lax.axis_index("s")
    wid = cid * NS + sid
    base0 = wid * EPW
    lanes = lax.iota(jnp.int32, 16)
    cu = jnp.zeros((16,), jnp.int32)
    cv = jnp.ones((16,), jnp.int32)

    def chunk(c, carry):
        base = base0 + c * CP
        pltpu.sync_copy(ii_hbm.at[pl.ds(2 * base, 2 * CP)], iibuf)
        pltpu.async_copy(uv_hbm.at[iibuf], uvrows, sem).wait()

        def grp(j, cc):
            s_idx = 32 * j + 2 * lanes
            u = plsc.load_gather(uvrows, [s_idx, cu])
            v = plsc.load_gather(uvrows, [s_idx + 1, cv])
            x = u + v
            pbuf[pl.ds(j * 16, 16)] = 1.0 / (1.0 + jnp.exp(-x))
            return cc

        lax.fori_loop(0, CP // 16, grp, 0)
        pltpu.sync_copy(pbuf, probs_hbm.at[pl.ds(base, CP)])
        return carry

    lax.fori_loop(0, NCHUNKP, chunk, 0)


_probs_call = pl.kernel(
    _probs_body,
    out_type=jax.ShapeDtypeStruct((N_EDGES,), jnp.float32),
    mesh=_mesh,
    scratch_types=(
        pltpu.VMEM((2 * CP,), jnp.int32),
        pltpu.VMEM((2 * CP, 16), jnp.float32),
        pltpu.VMEM((CP,), jnp.float32),
        pltpu.SemaphoreType.DMA,
    ),
    compiler_params=_sc_params,
)


def kernel(edge_attr, edge_index, node_attr, W0, b0, W_out, b_out):
    src = edge_index[0].astype(jnp.int32)
    dst = edge_index[1].astype(jnp.int32)
    ii = jnp.stack([src, dst], axis=1).reshape(-1)

    z = jnp.zeros((ACCR, DW), jnp.float32)
    onescol = jnp.zeros((C1, 16), jnp.float32).at[:, 0].set(1.0)
    ps = _sums_call(edge_attr, src, z, onescol)
    sums2 = jnp.concatenate([ps[0, :NHALF], ps[1, :NHALF]], axis=0)

    na_pad = jnp.pad(node_attr, ((0, NPAD - N_NODES), (0, 0)))
    w0a = W0[:, :D].T
    w0b = W0[:, D:].T
    wu = W_out[0, :D]
    wv = W_out[0, D:]
    wuv = jnp.concatenate(
        [jnp.stack([wu, wv], axis=1), jnp.zeros((D, 14), jnp.float32)], axis=1
    )
    buv = jnp.zeros((1, 16), jnp.float32).at[0, 0].set(b_out[0])
    h, uvt = _combine_call(sums2, na_pad, w0a, w0b, b0.reshape(1, D), wuv, buv)

    emb = _emb_call(h, src, dst)
    probs_flat = _probs_call(uvt, ii)
    return probs_flat.reshape(N_EDGES, 1), emb

# --- scband reference (transcript-rebuilt; emitter-appended) ---
"""Pipeline reference for scband-egraph-sage-86474871537827 (READ-ONLY COPY).

The authoritative reference and input builder live on the scoring server;
editing this copy changes nothing except your own understanding.
"""

import jax, jax.numpy as jnp
import numpy as np

N_NODES = 10000
N_EDGES = 320000
D_FEAT = 128
HIDDEN = 128


def setup_inputs(seed: int = 0) -> dict:
    key = jax.random.key(seed)
    k1, k2, k3, k4, k5, k6 = jax.random.split(key, 6)
    edge_attr = jax.random.normal(k1, (N_EDGES, D_FEAT), dtype=jnp.float32)
    edge_index = jax.random.randint(k2, (2, N_EDGES), 0, N_NODES, dtype=jnp.int64)
    node_attr = jnp.ones((N_NODES, D_FEAT), dtype=jnp.float32)
    # EdgeSAGELayer 0: nn.Linear(in_channels*2, out_channels) with in=num_features=128, out=hidden=128
    lim0 = 1.0 / np.sqrt(2 * D_FEAT)
    W0 = jax.random.uniform(k3, (HIDDEN, 2 * D_FEAT), minval=-lim0, maxval=lim0, dtype=jnp.float32)
    b0 = jax.random.uniform(k4, (HIDDEN,), minval=-lim0, maxval=lim0, dtype=jnp.float32)
    # Final edge classifier: nn.Linear(hidden*2, 1)
    limf = 1.0 / np.sqrt(2 * HIDDEN)
    W_out = jax.random.uniform(k5, (1, 2 * HIDDEN), minval=-limf, maxval=limf, dtype=jnp.float32)
    b_out = jax.random.uniform(k6, (1,), minval=-limf, maxval=limf, dtype=jnp.float32)
    return {"edge_attr": edge_attr, "edge_index": edge_index, "node_attr": node_attr,
            "W0": W0, "b0": b0, "W_out": W_out, "b_out": b_out}


def _scatter_mean(vals, idx, num_segments):
    sums = jax.ops.segment_sum(vals, idx, num_segments=num_segments)
    counts = jax.ops.segment_sum(jnp.ones((vals.shape[0], 1), dtype=vals.dtype), idx, num_segments=num_segments)
    return sums / jnp.maximum(counts, 1.0)


def reference(edge_attr, edge_index, node_attr, W0, b0, W_out, b_out):
    # E-GraphSAGE layer: aggregate edge features onto target nodes (edge_index[0]),
    # combine with node features, produce node embeddings, then edge embeddings
    # are the concatenation of src/dst node embeddings.
    num_nodes = node_attr.shape[0]
    src = edge_index[0]
    dst = edge_index[1]
    target_indices = edge_index[0]
    edge_aggregated_mean = _scatter_mean(edge_attr, target_indices, num_nodes)  # [N, d]
    h = jax.nn.sigmoid(jnp.concatenate([node_attr, edge_aggregated_mean], axis=1) @ W0.T + b0)  # [N, hidden]
    edge_embeddings = jnp.concatenate([h[src], h[dst]], axis=1)  # [E, 2*hidden]
    logits = edge_embeddings @ W_out.T + b_out  # [E, 1]
    probs = jax.nn.sigmoid(logits)
    return probs, edge_embeddings

if __name__ == "__main__":
    import jax
    _d = setup_inputs()
    print(jax.jit(kernel)(*tuple(_d.values())))

</pallas_src>

<mosaic_0001>
#map = affine_map<(d0, d1) -> (0, 0)>
#map1 = affine_map<(d0, d1) -> (0)>
#map2 = affine_map<(d0, d1) -> (0, 0, 0)>
module attributes {stable_mosaic.version = 14 : i64} {
  func.func @_sums_body(%arg0: i32, %arg1: i32, %arg2: memref<320000x128xf32, #tpu.memory_space<hbm>>, %arg3: memref<320000xi32, #tpu.memory_space<hbm>>, %arg4: memref<5248x144xf32, #tpu.memory_space<hbm>>, %arg5: memref<400x16xf32, #tpu.memory_space<hbm>>, %arg6: memref<2x5248x144xf32, #tpu.memory_space<hbm>>, %arg7: memref<400x144xf32, #tpu.memory_space<vmem>>, %arg8: memref<400xi32, #tpu.memory_space<vmem>>, %arg9: memref<400xi32, #tpu.memory_space<vmem>>, %arg10: memref<5248x144xf32, #tpu.memory_space<vmem_shared>>) attributes {dimension_semantics = [#tpu.dimension_semantics<core_parallel>, #tpu.dimension_semantics<subcore_parallel>], iteration_bounds = array<i64: 2, 16>, scalar_prefetch = 0 : i64, scratch_operands = 4 : i64, tpu.core_type = #tpu.core_type<sc_vector_subcore>, window_params = [{transform_indices = #map}, {transform_indices = #map1}, {transform_indices = #map}, {transform_indices = #map}, {transform_indices = #map2}]} {
    %mul3A = arith.constant 328 : i32
    %mul3A_0 = arith.muli %arg1, %mul3A : i32
    "tpu.region"() ({
      %run_scoped3A = tpu.sem_alloc : memref<!tpu.dma_semaphore, #tpu.memory_space<semaphore_mem>>
      %dma_start3A = arith.constant 0 : i32
      %dma_start3A_11 = tpu.memref_slice %arg10[%mul3A_0, %dma_start3A] : memref<5248x144xf32, #tpu.memory_space<vmem_shared>> -> memref<328x144xf32, #tpu.memory_space<vmem_shared>>
      %dma_start3A_12 = arith.constant 0 : i32
      %dma_start3A_13 = tpu.memref_slice %arg4[%mul3A_0, %dma_start3A_12] : memref<5248x144xf32, #tpu.memory_space<hbm>> -> memref<328x144xf32, #tpu.memory_space<hbm>>
      tpu.enqueue_dma source(%dma_start3A_13 : memref<328x144xf32, #tpu.memory_space<hbm>>) target(%dma_start3A_11 : memref<328x144xf32, #tpu.memory_space<vmem_shared>>) target_semaphore(%run_scoped3A : memref<!tpu.dma_semaphore, #tpu.memory_space<semaphore_mem>>)
      %dma_wait3A = arith.constant 0 : i32
      %dma_wait3A_14 = tpu.memref_slice %arg10[%mul3A_0, %dma_wait3A] : memref<5248x144xf32, #tpu.memory_space<vmem_shared>> -> memref<328x144xf32, #tpu.memory_space<vmem_shared>>
      %dma_wait3A_15 = arith.constant 0 : i32
      %dma_wait3A_16 = tpu.memref_slice %arg4[%mul3A_0, %dma_wait3A_15] : memref<5248x144xf32, #tpu.memory_space<hbm>> -> memref<328x144xf32, #tpu.memory_space<hbm>>
      tpu.wait_dma2 semaphore(%run_scoped3A : memref<!tpu.dma_semaphore, #tpu.memory_space<semaphore_mem>>) src(%dma_wait3A_16 : memref<328x144xf32, #tpu.memory_space<hbm>>) dst(%dma_wait3A_14 : memref<328x144xf32, #tpu.memory_space<vmem_shared>>)
      tpu.yield
    }) : () -> ()
    %iota3A = tpu.iota {dimensions = array<i32: 0>} : vector<16xi32>
    "tpu.region"() ({
      %run_scoped3A = tpu.sem_alloc : memref<!tpu.dma_semaphore, #tpu.memory_space<semaphore_mem>>
      %dma_start3A = arith.constant 0 : i32
      %dma_start3A_11 = arith.constant 128 : i32
      %dma_start3A_12 = tpu.memref_slice %arg7[%dma_start3A, %dma_start3A_11] : memref<400x144xf32, #tpu.memory_space<vmem>> -> memref<400x16xf32, #tpu.memory_space<vmem>>
      %dma_start3A_13 = arith.constant 0 : i32
      %dma_start3A_14 = arith.constant 128 : i32
      %dma_start3A_15 = tpu.memref_slice %arg7[%dma_start3A_13, %dma_start3A_14] : memref<400x144xf32, #tpu.memory_space<vmem>> -> memref<400x16xf32, #tpu.memory_space<vmem>>
      tpu.enqueue_dma source(%arg5 : memref<400x16xf32, #tpu.memory_space<hbm>>) target(%dma_start3A_15 : memref<400x16xf32, #tpu.memory_space<vmem>>) target_semaphore(%run_scoped3A : memref<!tpu.dma_semaphore, #tpu.memory_space<semaphore_mem>>)
      %dma_wait3A = arith.constant 0 : i32
      %dma_wait3A_16 = arith.constant 128 : i32
      %dma_wait3A_17 = tpu.memref_slice %arg7[%dma_wait3A, %dma_wait3A_16] : memref<400x144xf32, #tpu.memory_space<vmem>> -> memref<400x16xf32, #tpu.memory_space<vmem>>
      %dma_wait3A_18 = arith.constant 0 : i32
      %dma_wait3A_19 = arith.constant 128 : i32
      %dma_wait3A_20 = tpu.memref_slice %arg7[%dma_wait3A_18, %dma_wait3A_19] : memref<400x144xf32, #tpu.memory_space<vmem>> -> memref<400x16xf32, #tpu.memory_space<vmem>>
      tpu.wait_dma2 semaphore(%run_scoped3A : memref<!tpu.dma_semaphore, #tpu.memory_space<semaphore_mem>>) src(%arg5 : memref<400x16xf32, #tpu.memory_space<hbm>>) dst(%dma_wait3A_20 : memref<400x16xf32, #tpu.memory_space<vmem>>)
      tpu.yield
    }) : () -> ()
    %barrier3A = arith.constant 0 : index
    tpu.barrier barrier_id(%barrier3A)
    %mul3A_1 = arith.constant 5120 : i32
    %mul3A_2 = arith.muli %arg0, %mul3A_1 : i32
    %mul3A_3 = arith.constant 20000 : i32
    %mul3A_4 = arith.muli %arg1, %mul3A_3 : i32
    %scan3A = arith.constant 0 : i32
    %scan3A_5 = arith.constant 0 : i32
    %scan3A_6 = arith.constant 50 : i32
    %scan3A_7 = arith.addi %scan3A_5, %scan3A_6 : i32
    %scan3A_8 = arith.constant 1 : i32
    scf.for %scan3A_11 = %scan3A_5 to %scan3A_7 step %scan3A_8  : i32 {
      %mul3A_12 = arith.constant 400 : i32
      %mul3A_13 = arith.muli %scan3A_11, %mul3A_12 : i32
      %add3A = arith.addi %mul3A_4, %mul3A_13 : i32
      "tpu.region"() ({
        %run_scoped3A = tpu.sem_alloc : memref<!tpu.dma_semaphore, #tpu.memory_space<semaphore_mem>>
        %dma_start3A = tpu.memref_slice %arg3[%add3A] : memref<320000xi32, #tpu.memory_space<hbm>> -> memref<400xi32, #tpu.memory_space<hbm>>
        %dma_start3A_20 = tpu.memref_slice %arg3[%add3A] : memref<320000xi32, #tpu.memory_space<hbm>> -> memref<400xi32, #tpu.memory_space<hbm>>
        tpu.enqueue_dma source(%dma_start3A_20 : memref<400xi32, #tpu.memory_space<hbm>>) target(%arg8 : memref<400xi32, #tpu.memory_space<vmem>>) target_semaphore(%run_scoped3A : memref<!tpu.dma_semaphore, #tpu.memory_space<semaphore_mem>>)
        %dma_wait3A = tpu.memref_slice %arg3[%add3A] : memref<320000xi32, #tpu.memory_space<hbm>> -> memref<400xi32, #tpu.memory_space<hbm>>
        %dma_wait3A_21 = tpu.memref_slice %arg3[%add3A] : memref<320000xi32, #tpu.memory_space<hbm>> -> memref<400xi32, #tpu.memory_space<hbm>>
        tpu.wait_dma2 semaphore(%run_scoped3A : memref<!tpu.dma_semaphore, #tpu.memory_space<semaphore_mem>>) src(%dma_wait3A_21 : memref<400xi32, #tpu.memory_space<hbm>>) dst(%arg8 : memref<400xi32, #tpu.memory_space<vmem>>)
        tpu.yield
      }) : () -> ()
      "tpu.region"() ({
        %run_scoped3A = tpu.sem_alloc : memref<!tpu.dma_semaphore, #tpu.memory_space<semaphore_mem>>
        %dma_start3A = arith.constant 0 : i32
        %dma_start3A_20 = arith.constant 0 : i32
        %dma_start3A_21 = tpu.memref_slice %arg7[%dma_start3A, %dma_start3A_20] : memref<400x144xf32, #tpu.memory_space<vmem>> -> memref<400x128xf32, #tpu.memory_space<vmem>>
        %dma_start3A_22 = arith.constant 0 : i32
        %dma_start3A_23 = tpu.memref_slice %arg2[%add3A, %dma_start3A_22] : memref<320000x128xf32, #tpu.memory_space<hbm>> -> memref<400x128xf32, #tpu.memory_space<hbm>>
        %dma_start3A_24 = arith.constant 0 : i32
        %dma_start3A_25 = arith.constant 0 : i32
        %dma_start3A_26 = tpu.memref_slice %arg7[%dma_start3A_24, %dma_start3A_25] : memref<400x144xf32, #tpu.memory_space<vmem>> -> memref<400x128xf32, #tpu.memory_space<vmem>>
        %dma_start3A_27 = arith.constant 0 : i32
        %dma_start3A_28 = tpu.memref_slice %arg2[%add3A, %dma_start3A_27] : memref<320000x128xf32, #tpu.memory_space<hbm>> -> memref<400x128xf32, #tpu.memory_space<hbm>>
        tpu.enqueue_dma source(%dma_start3A_28 : memref<400x128xf32, #tpu.memory_space<hbm>>) target(%dma_start3A_26 : memref<400x128xf32, #tpu.memory_space<vmem>>) target_semaphore(%run_scoped3A : memref<!tpu.dma_semaphore, #tpu.memory_space<semaphore_mem>>)
        %dma_wait3A = arith.constant 0 : i32
        %dma_wait3A_29 = arith.constant 0 : i32
        %dma_wait3A_30 = tpu.memref_slice %arg7[%dma_wait3A, %dma_wait3A_29] : memref<400x144xf32, #tpu.memory_space<vmem>> -> memref<400x128xf32, #tpu.memory_space<vmem>>
        %dma_wait3A_31 = arith.constant 0 : i32
        %dma_wait3A_32 = tpu.memref_slice %arg2[%add3A, %dma_wait3A_31] : memref<320000x128xf32, #tpu.memory_space<hbm>> -> memref<400x128xf32, #tpu.memory_space<hbm>>
        %dma_wait3A_33 = arith.constant 0 : i32
        %dma_wait3A_34 = arith.constant 0 : i32
        %dma_wait3A_35 = tpu.memref_slice %arg7[%dma_wait3A_33, %dma_wait3A_34] : memref<400x144xf32, #tpu.memory_space<vmem>> -> memref<400x128xf32, #tpu.memory_space<vmem>>
        %dma_wait3A_36 = arith.constant 0 : i32
        %dma_wait3A_37 = tpu.memref_slice %arg2[%add3A, %dma_wait3A_36] : memref<320000x128xf32, #tpu.memory_space<hbm>> -> memref<400x128xf32, #tpu.memory_space<hbm>>
        tpu.wait_dma2 semaphore(%run_scoped3A : memref<!tpu.dma_semaphore, #tpu.memory_space<semaphore_mem>>) src(%dma_wait3A_37 : memref<400x128xf32, #tpu.memory_space<hbm>>) dst(%dma_wait3A_35 : memref<400x128xf32, #tpu.memory_space<vmem>>)
        tpu.yield
      }) : () -> ()
      %scan3A_14 = arith.constant 0 : i32
      %scan3A_15 = arith.constant 0 : i32
      %scan3A_16 = arith.constant 25 : i32
      %scan3A_17 = arith.addi %scan3A_15, %scan3A_16 : i32
      %scan3A_18 = arith.constant 1 : i32
      scf.for %scan3A_20 = %scan3A_15 to %scan3A_17 step %scan3A_18  : i32 {
        %mul3A_21 = arith.constant 16 : i32
        %mul3A_22 = arith.muli %scan3A_20, %mul3A_21 : i32
        %get3A = arith.index_cast %mul3A_22 : i32 to index
        %get3A_23 = tpu.vector_load %arg8[%get3A] {strides = array<i32>} : memref<400xi32, #tpu.memory_space<vmem>>, vector<16xi32>,
        %sub3A = vector.broadcast %mul3A_2 : i32 to vector<16xi32>
        %sub3A_24 = arith.subi %get3A_23, %sub3A : vector<16xi32>
        %ge3A = arith.constant 0 : i32
        %ge3A_25 = vector.broadcast %ge3A : i32 to vector<16xi32>
        %ge3A_26 = arith.cmpi sge, %sub3A_24, %ge3A_25 : vector<16xi32>
        %lt3A = arith.constant 5120 : i32
        %lt3A_27 = vector.broadcast %lt3A : i32 to vector<16xi32>
        %lt3A_28 = arith.cmpi slt, %sub3A_24, %lt3A_27 : vector<16xi32>
        %and3A = arith.andi %ge3A_26, %lt3A_28 : vector<16xi1>
        %add3A_29 = arith.constant 5120 : i32
        %add3A_30 = vector.broadcast %add3A_29 : i32 to vector<16xi32>
        %add3A_31 = arith.addi %add3A_30, %iota3A : vector<16xi32>
        %select_n3A = arith.select %and3A, %sub3A_24, %add3A_31 : vector<16xi1>, vector<16xi32>
        %mul3A_32 = arith.constant 16 : i32
        %mul3A_33 = arith.muli %scan3A_20, %mul3A_32 : i32
        %swap3A = arith.index_cast %mul3A_33 : i32 to index
        %swap3A_34 = tpu.vector_load %arg9[%swap3A] {strides = array<i32>} : memref<400xi32, #tpu.memory_space<vmem>>, vector<16xi32>,
        tpu.vector_store %arg9[%swap3A], %select_n3A {strides = array<i32>} : memref<400xi32, #tpu.memory_space<vmem>>, vector<16xi32>,
      }
      %scan3A_19 = arith.constant 25 : i32
      "tpu.region"() ({
        %run_scoped3A = tpu.sem_alloc : memref<!tpu.dma_semaphore, #tpu.memory_space<semaphore_mem>>
        %dma_start3A = arith.constant 0 : i32
        %dma_start3A_20 = arith.constant 0 : i32
        %dma_start3A_21 = tpu.memref_slice %arg10[%dma_start3A, %dma_start3A_20] : memref<5248x144xf32, #tpu.memory_space<vmem_shared>> -> memref<5248x144xf32, #tpu.memory_space<vmem_shared>>
        tpu.enqueue_indirect_dma source(%arg7 : memref<400x144xf32, #tpu.memory_space<vmem>>) target(%dma_start3A_21 : memref<5248x144xf32, #tpu.memory_space<vmem_shared>>) offsets(%arg9 : memref<400xi32, #tpu.memory_space<vmem>>) semaphore(%run_scoped3A : memref<!tpu.dma_semaphore, #tpu.memory_space<semaphore_mem>>) {add = true}
        %dma_wait3A = arith.constant 0 : i32
        %dma_wait3A_22 = arith.constant 0 : i32
        %dma_wait3A_23 = tpu.memref_slice %arg10[%dma_wait3A, %dma_wait3A_22] : memref<5248x144xf32, #tpu.memory_space<vmem_shared>> -> memref<5248x144xf32, #tpu.memory_space<vmem_shared>>
        tpu.wait_indirect_dma semaphore(%run_scoped3A : memref<!tpu.dma_semaphore, #tpu.memory_space<semaphore_mem>>) src(%arg7 : memref<400x144xf32, #tpu.memory_space<vmem>>) dst(%dma_wait3A_23 : memref<5248x144xf32, #tpu.memory_space<vmem_shared>>)
        tpu.yield
      }) : () -> ()
    }
    %scan3A_9 = arith.constant 50 : i32
    %barrier3A_10 = arith.constant 0 : index
    tpu.barrier barrier_id(%barrier3A_10)
    "tpu.region"() ({
      %run_scoped3A = tpu.sem_alloc : memref<!tpu.dma_semaphore, #tpu.memory_space<semaphore_mem>>
      %dma_start3A = arith.constant 0 : i32
      %dma_start3A_11 = tpu.memref_slice %arg6[%arg0, %mul3A_0, %dma_start3A] : memref<2x5248x144xf32, #tpu.memory_space<hbm>> -> memref<1x328x144xf32, #tpu.memory_space<hbm>>
      %dma_start3A_12 = tpu.memref_squeeze %dma_start3A_11 : memref<1x328x144xf32, #tpu.memory_space<hbm>> -> memref<328x144xf32, #tpu.memory_space<hbm>>
      %dma_start3A_13 = arith.constant 0 : i32
      %dma_start3A_14 = tpu.memref_slice %arg10[%mul3A_0, %dma_start3A_13] : memref<5248x144xf32, #tpu.memory_space<vmem_shared>> -> memref<328x144xf32, #tpu.memory_space<vmem_shared>>
      tpu.enqueue_dma source(%dma_start3A_14 : memref<328x144xf32, #tpu.memory_space<vmem_shared>>) target(%dma_start3A_12 : memref<328x144xf32, #tpu.memory_space<hbm>>) target_semaphore(%run_scoped3A : memref<!tpu.dma_semaphore, #tpu.memory_space<semaphore_mem>>)
      %dma_wait3A = arith.constant 0 : i32
      %dma_wait3A_15 = tpu.memref_slice %arg6[%arg0, %mul3A_0, %dma_wait3A] : memref<2x5248x144xf32, #tpu.memory_space<hbm>> -> memref<1x328x144xf32, #tpu.memory_space<hbm>>
      %dma_wait3A_16 = tpu.memref_squeeze %dma_wait3A_15 : memref<1x328x144xf32, #tpu.memory_space<hbm>> -> memref<328x144xf32, #tpu.memory_space<hbm>>
      %dma_wait3A_17 = arith.constant 0 : i32
      %dma_wait3A_18 = tpu.memref_slice %arg10[%mul3A_0, %dma_wait3A_17] : memref<5248x144xf32, #tpu.memory_space<vmem_shared>> -> memref<328x144xf32, #tpu.memory_space<vmem_shared>>
      tpu.wait_dma2 semaphore(%run_scoped3A : memref<!tpu.dma_semaphore, #tpu.memory_space<semaphore_mem>>) src(%dma_wait3A_18 : memref<328x144xf32, #tpu.memory_space<vmem_shared>>) dst(%dma_wait3A_16 : memref<328x144xf32, #tpu.memory_space<hbm>>)
      tpu.yield
    }) : () -> ()
    return
  }
}

#map = affine_map<(d0, d1) -> (0, 0)>
#map1 = affine_map<(d0, d1) -> (0)>
module attributes {stable_mosaic.version = 14 : i64} {
  func.func @_probs_body(%arg0: i32, %arg1: i32, %arg2: memref<10240x16xf32, #tpu.memory_space<hbm>>, %arg3: memref<640000xi32, #tpu.memory_space<hbm>>, %arg4: memref<320000xf32, #tpu.memory_space<hbm>>, %arg5: memref<160xi32, #tpu.memory_space<vmem>>, %arg6: memref<160x16xf32, #tpu.memory_space<vmem>>, %arg7: memref<80xf32, #tpu.memory_space<vmem>>, %arg8: memref<!tpu.dma_semaphore, #tpu.memory_space<semaphore_mem>>) attributes {dimension_semantics = [#tpu.dimension_semantics<core_parallel>, #tpu.dimension_semantics<subcore_parallel>], iteration_bounds = array<i64: 2, 16>, scalar_prefetch = 0 : i64, scratch_operands = 4 : i64, tpu.core_type = #tpu.core_type<sc_vector_subcore>, window_params = [{transform_indices = #map}, {transform_indices = #map1}, {transform_indices = #map1}]} {
    %mul3A = arith.constant 16 : i32
    %mul3A_0 = arith.muli %arg0, %mul3A : i32
    %add3A = arith.addi %mul3A_0, %arg1 : i32
    %mul3A_1 = arith.constant 10000 : i32
    %mul3A_2 = arith.muli %add3A, %mul3A_1 : i32
    %iota3A = tpu.iota {dimensions = array<i32: 0>} : vector<16xi32>
    %broadcast_in_dim3A = arith.constant 0 : i32
    %broadcast_in_dim3A_3 = vector.broadcast %broadcast_in_dim3A : i32 to vector<16xi32>
    %broadcast_in_dim3A_4 = arith.constant 1 : i32
    %broadcast_in_dim3A_5 = vector.broadcast %broadcast_in_dim3A_4 : i32 to vector<16xi32>
    %scan3A = arith.constant 0 : i32
    %scan3A_6 = arith.constant 0 : i32
    %scan3A_7 = arith.constant 125 : i32
    %scan3A_8 = arith.addi %scan3A_6, %scan3A_7 : i32
    %scan3A_9 = arith.constant 1 : i32
    scf.for %scan3A_11 = %scan3A_6 to %scan3A_8 step %scan3A_9  : i32 {
      %mul3A_12 = arith.constant 80 : i32
      %mul3A_13 = arith.muli %scan3A_11, %mul3A_12 : i32
      %add3A_14 = arith.addi %mul3A_2, %mul3A_13 : i32
      %mul3A_15 = arith.constant 2 : i32
      %mul3A_16 = arith.muli %mul3A_15, %add3A_14 : i32
      "tpu.region"() ({
        %run_scoped3A = tpu.sem_alloc : memref<!tpu.dma_semaphore, #tpu.memory_space<semaphore_mem>>
        %dma_start3A_27 = tpu.memref_slice %arg3[%mul3A_16] : memref<640000xi32, #tpu.memory_space<hbm>> -> memref<160xi32, #tpu.memory_space<hbm>>
        %dma_start3A_28 = tpu.memref_slice %arg3[%mul3A_16] : memref<640000xi32, #tpu.memory_space<hbm>> -> memref<160xi32, #tpu.memory_space<hbm>>
        tpu.enqueue_dma source(%dma_start3A_28 : memref<160xi32, #tpu.memory_space<hbm>>) target(%arg5 : memref<160xi32, #tpu.memory_space<vmem>>) target_semaphore(%run_scoped3A : memref<!tpu.dma_semaphore, #tpu.memory_space<semaphore_mem>>)
        %dma_wait3A_29 = tpu.memref_slice %arg3[%mul3A_16] : memref<640000xi32, #tpu.memory_space<hbm>> -> memref<160xi32, #tpu.memory_space<hbm>>
        %dma_wait3A_30 = tpu.memref_slice %arg3[%mul3A_16] : memref<640000xi32, #tpu.memory_space<hbm>> -> memref<160xi32, #tpu.memory_space<hbm>>
        tpu.wait_dma2 semaphore(%run_scoped3A : memref<!tpu.dma_semaphore, #tpu.memory_space<semaphore_mem>>) src(%dma_wait3A_30 : memref<160xi32, #tpu.memory_space<hbm>>) dst(%arg5 : memref<160xi32, #tpu.memory_space<vmem>>)
        tpu.yield
      }) : () -> ()
      %dma_start3A = arith.constant 0 : i32
      %dma_start3A_17 = arith.constant 0 : i32
      %dma_start3A_18 = tpu.memref_slice %arg2[%dma_start3A, %dma_start3A_17] : memref<10240x16xf32, #tpu.memory_space<hbm>> -> memref<10240x16xf32, #tpu.memory_space<hbm>>
      tpu.enqueue_indirect_dma source(%dma_start3A_18 : memref<10240x16xf32, #tpu.memory_space<hbm>>) target(%arg6 : memref<160x16xf32, #tpu.memory_space<vmem>>) offsets(%arg5 : memref<160xi32, #tpu.memory_space<vmem>>) semaphore(%arg8 : memref<!tpu.dma_semaphore, #tpu.memory_space<semaphore_mem>>)
      %dma_wait3A = arith.constant 0 : i32
      %dma_wait3A_19 = arith.constant 0 : i32
      %dma_wait3A_20 = tpu.memref_slice %arg2[%dma_wait3A, %dma_wait3A_19] : memref<10240x16xf32, #tpu.memory_space<hbm>> -> memref<10240x16xf32, #tpu.memory_space<hbm>>
      tpu.wait_indirect_dma semaphore(%arg8 : memref<!tpu.dma_semaphore, #tpu.memory_space<semaphore_mem>>) src(%dma_wait3A_20 : memref<10240x16xf32, #tpu.memory_space<hbm>>) dst(%arg6 : memref<160x16xf32, #tpu.memory_space<vmem>>)
      %scan3A_21 = arith.constant 0 : i32
      %scan3A_22 = arith.constant 0 : i32
      %scan3A_23 = arith.constant 5 : i32
      %scan3A_24 = arith.addi %scan3A_22, %scan3A_23 : i32
      %scan3A_25 = arith.constant 1 : i32
      scf.for %scan3A_27 = %scan3A_22 to %scan3A_24 step %scan3A_25  : i32 {
        %mul3A_28 = arith.constant 32 : i32
        %mul3A_29 = arith.muli %mul3A_28, %scan3A_27 : i32
        %mul3A_30 = arith.constant 2 : i32
        %mul3A_31 = vector.broadcast %mul3A_30 : i32 to vector<16xi32>
        %mul3A_32 = arith.muli %mul3A_31, %iota3A : vector<16xi32>
        %add3A_33 = vector.broadcast %mul3A_29 : i32 to vector<16xi32>
        %add3A_34 = arith.addi %add3A_33, %mul3A_32 : vector<16xi32>
        %gather3A = tpu.vector_load_idx %arg6[%add3A_34, %broadcast_in_dim3A_3] : memref<160x16xf32, #tpu.memory_space<vmem>>[vector<16xi32>, vector<16xi32>], vector<16xf32>,
        %add3A_35 = arith.constant 1 : i32
        %add3A_36 = vector.broadcast %add3A_35 : i32 to vector<16xi32>
        %add3A_37 = arith.addi %add3A_34, %add3A_36 : vector<16xi32>
        %gather3A_38 = tpu.vector_load_idx %arg6[%add3A_37, %broadcast_in_dim3A_5] : memref<160x16xf32, #tpu.memory_space<vmem>>[vector<16xi32>, vector<16xi32>], vector<16xf32>,
        %add3A_39 = arith.addf %gather3A, %gather3A_38 : vector<16xf32>
        %neg3A = arith.constant 0.000000e+00 : f32
        %neg3A_40 = vector.broadcast %neg3A : f32 to vector<16xf32>
        %neg3A_41 = arith.subf %neg3A_40, %add3A_39 : vector<16xf32>
        %exp3A = math.exp %neg3A_41 : vector<16xf32>
        %add3A_42 = arith.constant 1.000000e+00 : f32
        %add3A_43 = vector.broadcast %add3A_42 : f32 to vector<16xf32>
        %add3A_44 = arith.addf %add3A_43, %exp3A : vector<16xf32>
        %div3A = arith.constant 1.000000e+00 : f32
        %div3A_45 = vector.broadcast %div3A : f32 to vector<16xf32>
        %div3A_46 = arith.divf %div3A_45, %add3A_44 : vector<16xf32>
        %mul3A_47 = arith.constant 16 : i32
        %mul3A_48 = arith.muli %scan3A_27, %mul3A_47 : i32
        %swap3A = arith.index_cast %mul3A_48 : i32 to index
        %swap3A_49 = tpu.vector_load %arg7[%swap3A] {strides = array<i32>} : memref<80xf32, #tpu.memory_space<vmem>>, vector<16xf32>,
        tpu.vector_store %arg7[%swap3A], %div3A_46 {strides = array<i32>} : memref<80xf32, #tpu.memory_space<vmem>>, vector<16xf32>,
      }
      %scan3A_26 = arith.constant 5 : i32
      "tpu.region"() ({
        %run_scoped3A = tpu.sem_alloc : memref<!tpu.dma_semaphore, #tpu.memory_space<semaphore_mem>>
        %dma_start3A_27 = tpu.memref_slice %arg4[%add3A_14] : memref<320000xf32, #tpu.memory_space<hbm>> -> memref<80xf32, #tpu.memory_space<hbm>>
        %dma_start3A_28 = tpu.memref_slice %arg4[%add3A_14] : memref<320000xf32, #tpu.memory_space<hbm>> -> memref<80xf32, #tpu.memory_space<hbm>>
        tpu.enqueue_dma source(%arg7 : memref<80xf32, #tpu.memory_space<vmem>>) target(%dma_start3A_28 : memref<80xf32, #tpu.memory_space<hbm>>) target_semaphore(%run_scoped3A : memref<!tpu.dma_semaphore, #tpu.memory_space<semaphore_mem>>)
        %dma_wait3A_29 = tpu.memref_slice %arg4[%add3A_14] : memref<320000xf32, #tpu.memory_space<hbm>> -> memref<80xf32, #tpu.memory_space<hbm>>
        %dma_wait3A_30 = tpu.memref_slice %arg4[%add3A_14] : memref<320000xf32, #tpu.memory_space<hbm>> -> memref<80xf32, #tpu.memory_space<hbm>>
        tpu.wait_dma2 semaphore(%run_scoped3A : memref<!tpu.dma_semaphore, #tpu.memory_space<semaphore_mem>>) src(%arg7 : memref<80xf32, #tpu.memory_space<vmem>>) dst(%dma_wait3A_30 : memref<80xf32, #tpu.memory_space<hbm>>)
        tpu.yield
      }) : () -> ()
    }
    %scan3A_10 = arith.constant 125 : i32
    return
  }
}

#map = affine_map<(d0, d1) -> (0, 0)>
#map1 = affine_map<(d0, d1) -> (0)>
module attributes {stable_mosaic.version = 14 : i64} {
  func.func @_emb_body(%arg0: i32, %arg1: i32, %arg2: memref<10240x128xf32, #tpu.memory_space<hbm>>, %arg3: memref<320000xi32, #tpu.memory_space<hbm>>, %arg4: memref<320000xi32, #tpu.memory_space<hbm>>, %arg5: memref<320000x256xf32, #tpu.memory_space<hbm>>, %arg6: memref<80xi32, #tpu.memory_space<vmem>>, %arg7: memref<80xi32, #tpu.memory_space<vmem>>, %arg8: memref<80x128xf32, #tpu.memory_space<vmem>>, %arg9: memref<80x128xf32, #tpu.memory_space<vmem>>, %arg10: memref<!tpu.dma_semaphore, #tpu.memory_space<semaphore_mem>>) attributes {dimension_semantics = [#tpu.dimension_semantics<core_parallel>, #tpu.dimension_semantics<subcore_parallel>], iteration_bounds = array<i64: 2, 16>, scalar_prefetch = 0 : i64, scratch_operands = 5 : i64, tpu.core_type = #tpu.core_type<sc_vector_subcore>, window_params = [{transform_indices = #map}, {transform_indices = #map1}, {transform_indices = #map1}, {transform_indices = #map}]} {
    %mul3A = arith.constant 16 : i32
    %mul3A_0 = arith.muli %arg0, %mul3A : i32
    %add3A = arith.addi %mul3A_0, %arg1 : i32
    %mul3A_1 = arith.constant 10000 : i32
    %mul3A_2 = arith.muli %add3A, %mul3A_1 : i32
    %scan3A = arith.constant 0 : i32
    %scan3A_3 = arith.constant 0 : i32
    %scan3A_4 = arith.constant 125 : i32
    %scan3A_5 = arith.addi %scan3A_3, %scan3A_4 : i32
    %scan3A_6 = arith.constant 1 : i32
    scf.for %scan3A_8 = %scan3A_3 to %scan3A_5 step %scan3A_6  : i32 {
      %mul3A_9 = arith.constant 80 : i32
      %mul3A_10 = arith.muli %scan3A_8, %mul3A_9 : i32
      %add3A_11 = arith.addi %mul3A_2, %mul3A_10 : i32
      "tpu.region"() ({
        %run_scoped3A = tpu.sem_alloc : memref<!tpu.dma_semaphore, #tpu.memory_space<semaphore_mem>>
        %dma_start3A_22 = tpu.memref_slice %arg3[%add3A_11] : memref<320000xi32, #tpu.memory_space<hbm>> -> memref<80xi32, #tpu.memory_space<hbm>>
        %dma_start3A_23 = tpu.memref_slice %arg3[%add3A_11] : memref<320000xi32, #tpu.memory_space<hbm>> -> memref<80xi32, #tpu.memory_space<hbm>>
        tpu.enqueue_dma source(%dma_start3A_23 : memref<80xi32, #tpu.memory_space<hbm>>) target(%arg6 : memref<80xi32, #tpu.memory_space<vmem>>) target_semaphore(%run_scoped3A : memref<!tpu.dma_semaphore, #tpu.memory_space<semaphore_mem>>)
        %dma_wait3A_24 = tpu.memref_slice %arg3[%add3A_11] : memref<320000xi32, #tpu.memory_space<hbm>> -> memref<80xi32, #tpu.memory_space<hbm>>
        %dma_wait3A_25 = tpu.memref_slice %arg3[%add3A_11] : memref<320000xi32, #tpu.memory_space<hbm>> -> memref<80xi32, #tpu.memory_space<hbm>>
        tpu.wait_dma2 semaphore(%run_scoped3A : memref<!tpu.dma_semaphore, #tpu.memory_space<semaphore_mem>>) src(%dma_wait3A_25 : memref<80xi32, #tpu.memory_space<hbm>>) dst(%arg6 : memref<80xi32, #tpu.memory_space<vmem>>)
        tpu.yield
      }) : () -> ()
      "tpu.region"() ({
        %run_scoped3A = tpu.sem_alloc : memref<!tpu.dma_semaphore, #tpu.memory_space<semaphore_mem>>
        %dma_start3A_22 = tpu.memref_slice %arg4[%add3A_11] : memref<320000xi32, #tpu.memory_space<hbm>> -> memref<80xi32, #tpu.memory_space<hbm>>
        %dma_start3A_23 = tpu.memref_slice %arg4[%add3A_11] : memref<320000xi32, #tpu.memory_space<hbm>> -> memref<80xi32, #tpu.memory_space<hbm>>
        tpu.enqueue_dma source(%dma_start3A_23 : memref<80xi32, #tpu.memory_space<hbm>>) target(%arg7 : memref<80xi32, #tpu.memory_space<vmem>>) target_semaphore(%run_scoped3A : memref<!tpu.dma_semaphore, #tpu.memory_space<semaphore_mem>>)
        %dma_wait3A_24 = tpu.memref_slice %arg4[%add3A_11] : memref<320000xi32, #tpu.memory_space<hbm>> -> memref<80xi32, #tpu.memory_space<hbm>>
        %dma_wait3A_25 = tpu.memref_slice %arg4[%add3A_11] : memref<320000xi32, #tpu.memory_space<hbm>> -> memref<80xi32, #tpu.memory_space<hbm>>
        tpu.wait_dma2 semaphore(%run_scoped3A : memref<!tpu.dma_semaphore, #tpu.memory_space<semaphore_mem>>) src(%dma_wait3A_25 : memref<80xi32, #tpu.memory_space<hbm>>) dst(%arg7 : memref<80xi32, #tpu.memory_space<vmem>>)
        tpu.yield
      }) : () -> ()
      %dma_start3A = arith.constant 0 : i32
      %dma_start3A_12 = arith.constant 0 : i32
      %dma_start3A_13 = tpu.memref_slice %arg2[%dma_start3A, %dma_start3A_12] : memref<10240x128xf32, #tpu.memory_space<hbm>> -> memref<10240x128xf32, #tpu.memory_space<hbm>>
      tpu.enqueue_indirect_dma source(%dma_start3A_13 : memref<10240x128xf32, #tpu.memory_space<hbm>>) target(%arg8 : memref<80x128xf32, #tpu.memory_space<vmem>>) offsets(%arg6 : memref<80xi32, #tpu.memory_space<vmem>>) semaphore(%arg10 : memref<!tpu.dma_semaphore, #tpu.memory_space<semaphore_mem>>)
      %dma_start3A_14 = arith.constant 0 : i32
      %dma_start3A_15 = arith.constant 0 : i32
      %dma_start3A_16 = tpu.memref_slice %arg2[%dma_start3A_14, %dma_start3A_15] : memref<10240x128xf32, #tpu.memory_space<hbm>> -> memref<10240x128xf32, #tpu.memory_space<hbm>>
      tpu.enqueue_indirect_dma source(%dma_start3A_16 : memref<10240x128xf32, #tpu.memory_space<hbm>>) target(%arg9 : memref<80x128xf32, #tpu.memory_space<vmem>>) offsets(%arg7 : memref<80xi32, #tpu.memory_space<vmem>>) semaphore(%arg10 : memref<!tpu.dma_semaphore, #tpu.memory_space<semaphore_mem>>)
      %dma_wait3A = arith.constant 0 : i32
      %dma_wait3A_17 = arith.constant 0 : i32
      %dma_wait3A_18 = tpu.memref_slice %arg2[%dma_wait3A, %dma_wait3A_17] : memref<10240x128xf32, #tpu.memory_space<hbm>> -> memref<10240x128xf32, #tpu.memory_space<hbm>>
      tpu.wait_indirect_dma semaphore(%arg10 : memref<!tpu.dma_semaphore, #tpu.memory_space<semaphore_mem>>) src(%dma_wait3A_18 : memref<10240x128xf32, #tpu.memory_space<hbm>>) dst(%arg8 : memref<80x128xf32, #tpu.memory_space<vmem>>)
      %dma_wait3A_19 = arith.constant 0 : i32
      %dma_wait3A_20 = arith.constant 0 : i32
      %dma_wait3A_21 = tpu.memref_slice %arg2[%dma_wait3A_19, %dma_wait3A_20] : memref<10240x128xf32, #tpu.memory_space<hbm>> -> memref<10240x128xf32, #tpu.memory_space<hbm>>
      tpu.wait_indirect_dma semaphore(%arg10 : memref<!tpu.dma_semaphore, #tpu.memory_space<semaphore_mem>>) src(%dma_wait3A_21 : memref<10240x128xf32, #tpu.memory_space<hbm>>) dst(%arg9 : memref<80x128xf32, #tpu.memory_space<vmem>>)
      "tpu.region"() ({
        %run_scoped3A = tpu.sem_alloc : memref<!tpu.dma_semaphore, #tpu.memory_space<semaphore_mem>>
        %dma_start3A_22 = arith.constant 0 : i32
        %dma_start3A_23 = tpu.memref_slice %arg5[%add3A_11, %dma_start3A_22] : memref<320000x256xf32, #tpu.memory_space<hbm>> -> memref<80x128xf32, #tpu.memory_space<hbm>>
        %dma_start3A_24 = arith.constant 0 : i32
        %dma_start3A_25 = tpu.memref_slice %arg5[%add3A_11, %dma_start3A_24] : memref<320000x256xf32, #tpu.memory_space<hbm>> -> memref<80x128xf32, #tpu.memory_space<hbm>>
        tpu.enqueue_dma source(%arg8 : memref<80x128xf32, #tpu.memory_space<vmem>>) target(%dma_start3A_25 : memref<80x128xf32, #tpu.memory_space<hbm>>) target_semaphore(%run_scoped3A : memref<!tpu.dma_semaphore, #tpu.memory_space<semaphore_mem>>)
        %dma_wait3A_26 = arith.constant 0 : i32
        %dma_wait3A_27 = tpu.memref_slice %arg5[%add3A_11, %dma_wait3A_26] : memref<320000x256xf32, #tpu.memory_space<hbm>> -> memref<80x128xf32, #tpu.memory_space<hbm>>
        %dma_wait3A_28 = arith.constant 0 : i32
        %dma_wait3A_29 = tpu.memref_slice %arg5[%add3A_11, %dma_wait3A_28] : memref<320000x256xf32, #tpu.memory_space<hbm>> -> memref<80x128xf32, #tpu.memory_space<hbm>>
        tpu.wait_dma2 semaphore(%run_scoped3A : memref<!tpu.dma_semaphore, #tpu.memory_space<semaphore_mem>>) src(%arg8 : memref<80x128xf32, #tpu.memory_space<vmem>>) dst(%dma_wait3A_29 : memref<80x128xf32, #tpu.memory_space<hbm>>)
        tpu.yield
      }) : () -> ()
      "tpu.region"() ({
        %run_scoped3A = tpu.sem_alloc : memref<!tpu.dma_semaphore, #tpu.memory_space<semaphore_mem>>
        %dma_start3A_22 = arith.constant 128 : i32
        %dma_start3A_23 = tpu.memref_slice %arg5[%add3A_11, %dma_start3A_22] : memref<320000x256xf32, #tpu.memory_space<hbm>> -> memref<80x128xf32, #tpu.memory_space<hbm>>
        %dma_start3A_24 = arith.constant 128 : i32
        %dma_start3A_25 = tpu.memref_slice %arg5[%add3A_11, %dma_start3A_24] : memref<320000x256xf32, #tpu.memory_space<hbm>> -> memref<80x128xf32, #tpu.memory_space<hbm>>
        tpu.enqueue_dma source(%arg9 : memref<80x128xf32, #tpu.memory_space<vmem>>) target(%dma_start3A_25 : memref<80x128xf32, #tpu.memory_space<hbm>>) target_semaphore(%run_scoped3A : memref<!tpu.dma_semaphore, #tpu.memory_space<semaphore_mem>>)
        %dma_wait3A_26 = arith.constant 128 : i32
        %dma_wait3A_27 = tpu.memref_slice %arg5[%add3A_11, %dma_wait3A_26] : memref<320000x256xf32, #tpu.memory_space<hbm>> -> memref<80x128xf32, #tpu.memory_space<hbm>>
        %dma_wait3A_28 = arith.constant 128 : i32
        %dma_wait3A_29 = tpu.memref_slice %arg5[%add3A_11, %dma_wait3A_28] : memref<320000x256xf32, #tpu.memory_space<hbm>> -> memref<80x128xf32, #tpu.memory_space<hbm>>
        tpu.wait_dma2 semaphore(%run_scoped3A : memref<!tpu.dma_semaphore, #tpu.memory_space<semaphore_mem>>) src(%arg9 : memref<80x128xf32, #tpu.memory_space<vmem>>) dst(%dma_wait3A_29 : memref<80x128xf32, #tpu.memory_space<hbm>>)
        tpu.yield
      }) : () -> ()
    }
    %scan3A_7 = arith.constant 125 : i32
    return
  }
}

module attributes {stable_mosaic.version = 14 : i64} {
  func.func @_combine_body(%arg0: i32, %arg1: memref<256x144xf32, #tpu.memory_space<vmem>>, %arg2: memref<256x128xf32, #tpu.memory_space<vmem>>, %arg3: memref<128x128xf32, #tpu.memory_space<vmem>>, %arg4: memref<128x128xf32, #tpu.memory_space<vmem>>, %arg5: memref<1x128xf32, #tpu.memory_space<vmem>>, %arg6: memref<128x16xf32, #tpu.memory_space<vmem>>, %arg7: memref<1x16xf32, #tpu.memory_space<vmem>>, %arg8: memref<256x128xf32, #tpu.memory_space<vmem>>, %arg9: memref<256x16xf32, #tpu.memory_space<vmem>>) attributes {dimension_semantics = [#tpu.dimension_semantics<arbitrary>], iteration_bounds = array<i64: 40>, scalar_prefetch = 0 : i64, scratch_operands = 0 : i64, tpu.core_type = #tpu.core_type<tc>, window_params = [{transform_indices = @transform_0, window_bounds = array<i64: 256, 144>}, {transform_indices = @transform_1, window_bounds = array<i64: 256, 128>}, {pipeline_mode = #tpu.pipeline_mode<synchronous>, transform_indices = @transform_2, window_bounds = array<i64: 128, 128>}, {pipeline_mode = #tpu.pipeline_mode<synchronous>, transform_indices = @transform_3, window_bounds = array<i64: 128, 128>}, {pipeline_mode = #tpu.pipeline_mode<synchronous>, transform_indices = @transform_4, window_bounds = array<i64: 1, 128>}, {pipeline_mode = #tpu.pipeline_mode<synchronous>, transform_indices = @transform_5, window_bounds = array<i64: 128, 16>}, {pipeline_mode = #tpu.pipeline_mode<synchronous>, transform_indices = @transform_6, window_bounds = array<i64: 1, 16>}, {transform_indices = @transform_7, window_bounds = array<i64: 256, 128>}, {transform_indices = @transform_8, window_bounds = array<i64: 256, 16>}]} {
    %get3A = arith.constant 0 : index
    %get3A_0 = arith.constant 0 : index
    %get3A_1 = vector.load %arg1[%get3A, %get3A_0] : memref<256x144xf32, #tpu.memory_space<vmem>>, vector<256x144xf32>
    %slice3A = vector.extract_strided_slice %get3A_1 {offsets = [0, 128], sizes = [256, 1], strides = [1, 1]} : vector<256x144xf32> to vector<256x1xf32>
    %slice3A_2 = vector.extract_strided_slice %get3A_1 {offsets = [0, 0], sizes = [256, 128], strides = [1, 1]} : vector<256x144xf32> to vector<256x128xf32>
    %max3A = arith.constant 1.000000e+00 : f32
    %max3A_3 = vector.broadcast %max3A : f32 to vector<256x1xf32>
    %max3A_4 = arith.maximumf %slice3A, %max3A_3 : vector<256x1xf32>
    %div3A = vector.broadcast %max3A_4 : vector<256x1xf32> to vector<256x128xf32>
    %div3A_5 = arith.divf %slice3A_2, %div3A : vector<256x128xf32>
    %get3A_6 = arith.constant 0 : index
    %get3A_7 = arith.constant 0 : index
    %get3A_8 = vector.load %arg2[%get3A_6, %get3A_7] : memref<256x128xf32, #tpu.memory_space<vmem>>, vector<256x128xf32>
    %get3A_9 = arith.constant 0 : index
    %get3A_10 = arith.constant 0 : index
    %get3A_11 = vector.load %arg3[%get3A_9, %get3A_10] : memref<128x128xf32, #tpu.memory_space<vmem>>, vector<128x128xf32>
    %dot_general3A = arith.constant dense<0.000000e+00> : vector<256x128xf32>
    %dot_general3A_12 = tpu.matmul %get3A_8, %get3A_11, %dot_general3A {dimension_numbers = #tpu.dot_dimension_numbers<[1], [0], [0], [1], [0, 0, 1, 1], [], []>, transpose_lhs_hint = false} : vector<256x128xf32>, vector<128x128xf32>, vector<256x128xf32> -> vector<256x128xf32>
    %get3A_13 = arith.constant 0 : index
    %get3A_14 = arith.constant 0 : index
    %get3A_15 = vector.load %arg4[%get3A_13, %get3A_14] : memref<128x128xf32, #tpu.memory_space<vmem>>, vector<128x128xf32>
    %dot_general3A_16 = arith.constant dense<0.000000e+00> : vector<256x128xf32>
    %dot_general3A_17 = tpu.matmul %div3A_5, %get3A_15, %dot_general3A_16 {dimension_numbers = #tpu.dot_dimension_numbers<[1], [0], [0], [1], [0, 0, 1, 1], [], []>, transpose_lhs_hint = false} : vector<256x128xf32>, vector<128x128xf32>, vector<256x128xf32> -> vector<256x128xf32>
    %add3A = arith.addf %dot_general3A_12, %dot_general3A_17 : vector<256x128xf32>
    %get3A_18 = arith.constant 0 : index
    %get3A_19 = arith.constant 0 : index
    %get3A_20 = vector.load %arg5[%get3A_18, %get3A_19] : memref<1x128xf32, #tpu.memory_space<vmem>>, vector<1x128xf32>
    %add3A_21 = vector.broadcast %get3A_20 : vector<1x128xf32> to vector<256x128xf32>
    %add3A_22 = arith.addf %add3A, %add3A_21 : vector<256x128xf32>
    %logistic3A = arith.negf %add3A_22 : vector<256x128xf32>
    %logistic3A_23 = math.exp %logistic3A : vector<256x128xf32>
    %logistic3A_24 = arith.constant 1.000000e+00 : f32
    %logistic3A_25 = vector.broadcast %logistic3A_24 : f32 to vector<256x128xf32>
    %logistic3A_26 = arith.addf %logistic3A_25, %logistic3A_23 : vector<256x128xf32>
    %logistic3A_27 = arith.divf %logistic3A_25, %logistic3A_26 : vector<256x128xf32>
    %swap3A = arith.constant 0 : index
    %swap3A_28 = arith.constant 0 : index
    %swap3A_29 = vector.load %arg8[%swap3A, %swap3A_28] : memref<256x128xf32, #tpu.memory_space<vmem>>, vector<256x128xf32>
    tpu.vector_store %arg8[%swap3A, %swap3A_28], %logistic3A_27 {strides = array<i32>} : memref<256x128xf32, #tpu.memory_space<vmem>>, vector<256x128xf32>,
    %get3A_30 = arith.constant 0 : index
    %get3A_31 = arith.constant 0 : index
    %get3A_32 = vector.load %arg6[%get3A_30, %get3A_31] : memref<128x16xf32, #tpu.memory_space<vmem>>, vector<128x16xf32>
    %dot_general3A_33 = arith.constant dense<0.000000e+00> : vector<256x16xf32>
    %dot_general3A_34 = tpu.matmul %logistic3A_27, %get3A_32, %dot_general3A_33 {dimension_numbers = #tpu.dot_dimension_numbers<[1], [0], [0], [1], [0, 0, 1, 1], [], []>, transpose_lhs_hint = false} : vector<256x128xf32>, vector<128x16xf32>, vector<256x16xf32> -> vector<256x16xf32>
    %get3A_35 = arith.constant 0 : index
    %get3A_36 = arith.constant 0 : index
    %get3A_37 = vector.load %arg7[%get3A_35, %get3A_36] : memref<1x16xf32, #tpu.memory_space<vmem>>, vector<1x16xf32>
    %add3A_38 = vector.broadcast %get3A_37 : vector<1x16xf32> to vector<256x16xf32>
    %add3A_39 = arith.addf %dot_general3A_34, %add3A_38 : vector<256x16xf32>
    %swap3A_40 = arith.constant 0 : index
    %swap3A_41 = arith.constant 0 : index
    %swap3A_42 = vector.load %arg9[%swap3A_40, %swap3A_41] : memref<256x16xf32, #tpu.memory_space<vmem>>, vector<256x16xf32>
    tpu.vector_store %arg9[%swap3A_40, %swap3A_41], %add3A_39 {strides = array<i32>} : memref<256x16xf32, #tpu.memory_space<vmem>>, vector<256x16xf32>,
    return
  }
  func.func @transform_0(%arg0: i32) -> (i32, i32) {
    %c0_i32 = arith.constant 0 : i32
    %c0_i32_0 = arith.constant 0 : i32
    return %arg0, %c0_i32 : i32, i32
  }
  func.func @transform_1(%arg0: i32) -> (i32, i32) {
    %c0_i32 = arith.constant 0 : i32
    %c0_i32_0 = arith.constant 0 : i32
    return %arg0, %c0_i32 : i32, i32
  }
  func.func @transform_2(%arg0: i32) -> (i32, i32) {
    %c0_i32 = arith.constant 0 : i32
    %c0_i32_0 = arith.constant 0 : i32
    %c0_i32_1 = arith.constant 0 : i32
    return %c0_i32, %c0_i32_0 : i32, i32
  }
  func.func @transform_3(%arg0: i32) -> (i32, i32) {
    %c0_i32 = arith.constant 0 : i32
    %c0_i32_0 = arith.constant 0 : i32
    %c0_i32_1 = arith.constant 0 : i32
    return %c0_i32, %c0_i32_0 : i32, i32
  }
  func.func @transform_4(%arg0: i32) -> (i32, i32) {
    %c0_i32 = arith.constant 0 : i32
    %c0_i32_0 = arith.constant 0 : i32
    %c0_i32_1 = arith.constant 0 : i32
    return %c0_i32, %c0_i32_0 : i32, i32
  }
  func.func @transform_5(%arg0: i32) -> (i32, i32) {
    %c0_i32 = arith.constant 0 : i32
    %c0_i32_0 = arith.constant 0 : i32
    %c0_i32_1 = arith.constant 0 : i32
    return %c0_i32, %c0_i32_0 : i32, i32
  }
  func.func @transform_6(%arg0: i32) -> (i32, i32) {
    %c0_i32 = arith.constant 0 : i32
    %c0_i32_0 = arith.constant 0 : i32
    %c0_i32_1 = arith.constant 0 : i32
    return %c0_i32, %c0_i32_0 : i32, i32
  }
  func.func @transform_7(%arg0: i32) -> (i32, i32) {
    %c0_i32 = arith.constant 0 : i32
    %c0_i32_0 = arith.constant 0 : i32
    return %arg0, %c0_i32 : i32, i32
  }
  func.func @transform_8(%arg0: i32) -> (i32, i32) {
    %c0_i32 = arith.constant 0 : i32
    %c0_i32_0 = arith.constant 0 : i32
    return %arg0, %c0_i32 : i32, i32
  }
}

</mosaic_0001>

<sc_bundles>
// kernel: kernel.12.cloned.1.call-start
scs
__scs_entry_jumppad:
0x0: {  	(pc) =	sbr.rel $0x88, $3  }
0x1: {  	(tag) =	ssettag $0x0;
	lr =	simm.s32 $0x1  }
0x2: {  	[smem:$0x3F9A] =	sst lr;
	_ =	strace $0xD0000000  }
0x3: {  	_ = 	snop  }
0x4: {  	_ = 	snop  }
0x5: {  	_ = 	snop  }
0x6: {  	_ = 	snop  }
0x7: {  	_ = 	snop  }
__scs_overlays_trampoline_lowered:
0x8: {  	[smem:$0x3FA9] =	sst s0  }
0x9: {  	[smem:$0x3FAA] =	sst s1  }
0xa: {  	[smem:$0x3FAB] =	sst s2  }
0xb: {  	[smem:$0x3FAC] =	sst s3  }
0xc: {  	[smem:$0x3FAD] =	sst s4  }
0xd: {  	[smem:$0x3FAE] =	sst s5  }
0xe: {  	[smem:$0x3FAF] =	sst s6  }
0xf: {  	[smem:$0x3FB0] =	sst s7  }
0x10: {  	[smem:$0x3FB1] =	sst s8  }
0x11: {  	[smem:$0x3FB2] =	sst s9;
	s0 =	simm.s32 @!p0 $0x0  }
0x12: {  	s1 =	sld [smem:$0x3F98];
	s0 =	simm.s32 @p0 $0x1  }
0x13: {  	[smem:$0x3FB3] =	sst s0;
	s0 =	simm.s32 @!p1 $0x0  }
0x14: {  	s2 =	sld [smem:$0x3F97];
	s0 =	simm.s32 @p1 $0x1  }
0x15: {  	[smem:$0x3FB4] =	sst s0;
	s0 =	simm.s32 @!p2 $0x0  }
0x16: {  	s3 =	sld [smem:$0x3FDB];
	s0 =	simm.s32 @p2 $0x1  }
0x17: {  	s4 =	simm.s32 $0x1BF5;
	[smem:$0x3FB6] =	sst s0  }
0x18: {  	s0 =	sld [smem:$0x3F99];
	_ =	swait.ge [sflag:s4], $0x0  }
0x19: {  	s7 =	sld [smem:$0x3F9A]  }
0x1a: {  	s8 =	sadd.s32 $0xFFFFE003, lr  }
0x1b: {  	s9 =	sadd.s32 $0xFFFFFEF7, lr;
	s5 =	simm.s32 $0xFFFFFFFF;
	p2 =	slt.u32 s8, $0xFFFFF086  }
0x1c: {  	p1 =	slt.u32 s9, $0xF7A;
	s5 =	simm.s32 @!p2 $0x0  }
0x1d: {  	s5 =	simm.s32 @p1 $0x1;
	p0 =	seq.s32 s7, s2  }
0x1e: {  	s7 =	smul.u32 @!p0 $0xF7A, s2;
	p2 =	seq.s32 @!p0 s5, $0x0  }
0x1f: {  	s9 =	smul.u32 $0xF7A, s1;
	s8 =	simm.s32 @!p0 $0x1BF5;
	p2 =	por !p2, p0  }
0x20: {  	[sflag:s8] =	ssyncset.s32 @!p0 $0xFFFFF086;
	s6 =	sadd.s32 @!p0 s3, s7;
	s7 =	simm.s32 @!p0 $0x108  }
0x21: {  	s3 =	sadd.s32 s3, s9;
	s6 =	sadd.s32 @!p0 $0x88, s6;
	s7 =	simm.s32 @p2 $0x1082  }
0x22: {  	[simem:s7], [sflag:s8] =	dma.local @!p0 [hbm:s6], $0xF7A  }
0x23: {  	s9 =	sor.u32 $0xD0000000, s2;
	s6 =	simm.s32 $0x108;
	_ =	swait.ge @!p0 [sflag:s8], $0x0  }
0x24: {  	s3 =	sadd.s32 $0x88, s3;
	s6 =	simm.s32 @!p1 $0x1082;
	[sflag:s4] =	ssyncset.s32 $0xFFFFF086  }
0x25: {  	[simem:s6], [sflag:s4] =	dma.local [hbm:s3], $0xF7A  }
0x26: {  	[smem:$0x3F9A] =	sst s1;
	(tag) =	ssettag s2;
	_ =	strace s9  }
0x27: {  	s1 =	sld [smem:$0x3FAA]  }
0x28: {  	s2 =	sld [smem:$0x3FAB]  }
0x29: {  	s4 =	sld [smem:$0x3FAD]  }
0x2a: {  	p0 =	seq.s32 s5, $0x0;
	s5 =	sld [smem:$0x3FAE]  }
0x2b: {  	s6 =	sld [smem:$0x3FAF]  }
0x2c: {  	s7 =	sld [smem:$0x3FB0]  }
0x2d: {  	s3 =	simm.s32 $0x108;
	s8 =	sld [smem:$0x3FB1]  }
0x2e: {  	s3 =	simm.s32 @!p0 $0x1082;
	s9 =	sld [smem:$0x3FB2]  }
0x2f: {  	lr =	sadd.s32 s0, s3;
	s0 =	sld [smem:$0x3FA9]  }
0x30: {  	s3 =	sld [smem:$0x3FAC]  }
0x31: {  	[smem:$0x3FB5] =	sst s10  }
0x32: {  	s10 =	sld [smem:$0x3FB3];
	_ =	sdelay $0x3  }
0x33: {  	p0 =	seq.s32 s10, $0x1;
	s10 =	sld [smem:$0x3FB5];
	_ =	sdelay $0x3  }
0x34: {  	[smem:$0x3FB5] =	sst s10  }
0x35: {  	s10 =	sld [smem:$0x3FB4];
	_ =	sdelay $0x3  }
0x36: {  	p1 =	seq.s32 s10, $0x1;
	s10 =	sld [smem:$0x3FB5];
	_ =	sdelay $0x3  }
0x37: {  	[smem:$0x3FB5] =	sst s10  }
0x38: {  	s10 =	sld [smem:$0x3FB6]  }
0x39: {  	_ = 	snop;
	(pc) =	sbr.ind lr, $3  }
0x3a: {  	_ = 	snop  }
0x3b: {  	_ = 	snop  }
0x3c: {  	p2 =	seq.s32 s10, $0x1;
	s10 =	sld [smem:$0x3FB5]  }
0x3d: {  	_ =	shalt  }
0x3e: {  	_ =	shalt  }
0x3f: {  	_ =	shalt  }
0x40: {  	_ =	shalt  }
0x41: {  	_ =	shalt  }
0x42: {  	_ =	shalt  }
0x43: {  	_ =	shalt  }
0x44: {  	_ =	shalt  }
0x45: {  	_ =	shalt  }
0x46: {  	_ =	shalt  }
0x47: {  	_ =	shalt  }
0x48: {  	_ =	shalt  }
0x49: {  	_ =	shalt  }
0x4a: {  	_ =	shalt  }
0x4b: {  	_ =	shalt  }
0x4c: {  	_ =	shalt  }
0x4d: {  	_ =	shalt  }
0x4e: {  	_ =	shalt  }
0x4f: {  	_ =	shalt  }
0x50: {  	_ =	shalt  }
0x51: {  	_ =	shalt  }
0x52: {  	_ =	shalt  }
0x53: {  	_ =	shalt  }
0x54: {  	_ =	shalt  }
0x55: {  	_ =	shalt  }
0x56: {  	_ =	shalt  }
0x57: {  	_ =	shalt  }
0x58: {  	_ =	shalt  }
0x59: {  	_ =	shalt  }
0x5a: {  	_ =	shalt  }
0x5b: {  	_ =	shalt  }
0x5c: {  	_ =	shalt  }
0x5d: {  	_ =	shalt  }
0x5e: {  	_ =	shalt  }
0x5f: {  	_ =	shalt  }
0x60: {  	_ =	shalt  }
0x61: {  	_ =	shalt  }
0x62: {  	_ =	shalt  }
0x63: {  	_ =	shalt  }
0x64: {  	_ =	shalt  }
0x65: {  	_ =	shalt  }
0x66: {  	_ =	shalt  }
0x67: {  	_ =	shalt  }
0x68: {  	_ =	shalt  }
0x69: {  	_ =	shalt  }
0x6a: {  	_ =	shalt  }
0x6b: {  	_ =	shalt  }
0x6c: {  	_ =	shalt  }
0x6d: {  	_ =	shalt  }
0x6e: {  	_ =	shalt  }
0x6f: {  	_ =	shalt  }
0x70: {  	_ =	shalt  }
0x71: {  	_ =	shalt  }
0x72: {  	_ =	shalt  }
0x73: {  	_ =	shalt  }
0x74: {  	_ =	shalt  }
0x75: {  	_ =	shalt  }
0x76: {  	_ =	shalt  }
0x77: {  	_ =	shalt  }
0x78: {  	_ =	shalt  }
0x79: {  	_ =	shalt  }
0x7a: {  	_ =	shalt  }
0x7b: {  	_ =	shalt  }
0x7c: {  	_ =	shalt  }
0x7d: {  	_ =	shalt  }
0x7e: {  	_ =	shalt  }
0x7f: {  	_ =	shalt  }
0x80: {  	_ =	shalt  }
0x81: {  	_ =	shalt  }
0x82: {  	_ =	shalt  }
0x83: {  	_ =	shalt  }
0x84: {  	_ =	shalt  }
0x85: {  	_ =	shalt  }
0x86: {  	_ =	shalt  }
0x87: {  	_ =	shalt  }
.Lfunc_end0:
.L_simem_size_0:
called_computation.2_lowered:
.L_overlay_start_0:
0x88: {  	s2 =	sld [smem:$0x3FD9]  }
0x89: {  	s3 =	sld [smem:$0x3FFE];
	_ =	sdelay $0x1  }
0x8a: {  	s1 =	srdreg.scid  }
0x8b: {  	s0 =	sand.u32 $0x1, s1  }
0x8c: {  	s14 =	sshll.u32 s0, $0xA;
	s2 =	sadd.s32 s3, s2  }
0x8d: {  	s2 =	sadd.s32 s2, s14  }
0x8e: {  	[smem:$0x3FC1] =	sst s2  }
0x8f: {  	_ = 	snop  }
0x90: {  	s2 =	sld [smem:$0x3FD0];
	_ =	sdelay $0x2  }
0x91: {  	s15 =	simm.s32 $0xB;
	s4 =	simm.s32 $0x10  }
0x92: {  	[smem:s4], [sflag:s15] =	dma.local [hbm:s2], $0x1  }
0x93: {  	_ =	swait.eq [sflag:s15], $0x1  }
0x94: {  	[sflag:s15] =	ssyncset.done $0x0  }
0x95: {  	[sflag:s15] =	ssyncadd.s32 $0xFFFFFFFF  }
0x96: {  	s16 =	sld [smem:$0x10];
	(tm) =	ssettm $0x1  }
0x97: {  	s17 =	sld [smem:$0x3FFB];
	_ =	sdelay $0x3  }
0x98: {  	_ =	strace s17  }
0x99: {  	s3 =	sld [smem:$0x3FFC];
	_ =	sdelay $0x3  }
0x9a: {  	_ =	strace s3  }
0x9b: {  	s3 =	sld [smem:$0x3FFD];
	_ =	sdelay $0x3  }
0x9c: {  	_ =	strace s3  }
0x9d: {  	_ =	strace $0x8FFFFFFF  }
0x9e: {  	s18 =	sld [smem:$0x3FDB];
	_ =	sdelay $0x1  }
0x9f: {  	s19 =	simm.s32 $_scs_section_size  }
0xa0: {  	s5 =	simm.s32 $_size__tile_overlayer_lowered;
	s6 =	simm.s32 $_tile_overlayer_lowered  }
0xa1: {  	s22 =	simm.s32 $0x1BFF;
	s21 =	sshll.u32 s6, $0x1;
	s3 =	sadd.s32 s19, s18  }
0xa2: {  	s7 =	simm.s32 $0x0;
	s20 =	sshll.u32 s5, $0x1;
	s5 =	sadd.s32 s21, s3  }
0xa3: {  	[timem:s7], [sflag:s22] =	dma.local [hbm:s5], s20  }
0xa4: {  	_ =	swait.ge [sflag:s22], s20  }
0xa5: {  	s4 =	ssub.s32 $0x0, s20;
	[sflag:s22] =	ssyncset.done $0x0  }
0xa6: {  	[sflag:s22] =	ssyncadd.s32 s4;
	_ =	sdelay $0x1  }
0xa7: {  	s23 =	simm.s32 $0x1B8B  }
0xa8: {  	_ =	swait.ge [sflag:s23], $0x1  }
0xa9: {  	[sflag:s23] =	ssyncset.done $0x0  }
0xaa: {  	s25 =	simm.s32 $0x1B8E;
	s24 =	sld [smem:$0x3FFE];
	[sflag:s23] =	ssyncadd.s32 $0xFFFFFFFF  }
0xab: {  	s26 =	simm.s32 $execute0_lowered;
	[smem:$0x3FD2] =	sst s25  }
0xac: {  	s5 =	sshll.u32 s26, $0x1;
	_ =	strace $0x80000049;
	[dreg:$0x1] =	wrdreg $0xFFFFFFFF  }
0xad: {  	s28 =	simm.s32 $_size_execute0_lowered;
	s3 =	sadd.s32 s3, s5;
	[dreg:$0x0] =	wrdreg $0x0  }
0xae: {  	s5 =	sshll.u32 s28, $0x1;
	[dreg:$0x2] =	wrdreg s3  }
0xaf: {  	[dreg:$0x3] =	wrdreg s5  }
0xb0: {  	[dreg:$0x4] =	wrdreg $0xC0  }
0xb1: {  	_ =	task [dreg:s7], $0x5FFFF  }
0xb2: {  	[dreg:$0x1] =	wrdreg $0xFFFFFFFF  }
0xb3: {  	[dreg:$0x0] =	wrdreg $0x60  }
0xb4: {  	[dreg:$0x2] =	wrdreg s16  }
0xb5: {  	[dreg:$0x3] =	wrdreg s24  }
0xb6: {  	[dreg:$0x4] =	wrdreg $0xA  }
0xb7: {  	_ =	task.clear_ibuf [dreg:s7], $0x5FFFF;
	_ =	strace $0x90000049  }
0xb8: {  	s29 =	simm.s32 $0xA;
	_ =	strace $0x8000004B  }
0xb9: {  	_ =	swait.ge [sflag:s29], $0x1  }
0xba: {  	[sflag:s29] =	ssyncadd.s32 $0xFFFFFFFF  }
0xbb: {  	_ =	strace $0x9000004B  }
0xbc: {  	_ =	sfence  }
0xbd: {  	s30 =	sld [smem:$0x0];
	_ =	sdelay $0x2  }
0xbe: {  	s31 =	sshll.u32 s1, $0xD;
	s1 =	sshrl.u32 s1, $0x2  }
0xbf: {  	s3 =	sand.u32 $0x4000, s31;
	s1 =	sadd.s32 s1, s30  }
0xc0: {  	s0 =	sor.u32 s3, s0;
	s1 =	sshll.u32 s1, $0x11  }
0xc1: {  	s0 =	sor.u32 s1, s0  }
0xc2: {  	s0 =	sadd.s32 $0x8F2B, s0  }
0xc3: {  	[sflag:s0] =	ssyncadd.remote.s32 $0x1  }
0xc4: {  	_ =	sfence.sel $0xFFFF  }
0xc5: {  	[dreg:$0x0] =	wrdreg $0xFFFFFFFF;
	(pc) =	sbr.abs _section_cstart, $3  }
0xc6: {  	[dreg:$0x1] =	wrdreg $0xFFFFFFFF  }
0xc7: {  	_ =	task.clear_ibuf [dreg:s7], $0x2FFFF;
	_ =	strace $0x9FFFFFFF  }
0xc8: {  	(tm) =	ssettm $0x7FFFFFFF  }
0xc9: {  	_ =	shalt  }
tec
execute0_lowered:
.L_overlay_start_1:
0x0: {  	(tag) =	ssettag $0x1  }
0x1: {  	s2 =	rddreg [dreg:$0x0]  }
0x2: {  	s0 =	srdreg.scid;
	s6 =	rddreg [dreg:$0x1]  }
0x3: {  	s1 =	rddreg [dreg:$0x2];
	s3 =	simm.s32 $0x0;
	s4 =	sand.u32 $0x1, s0  }
0x4: {  	s9 =	simm.s32 $0x1;
	s0 =	stileid.u32;
	s5 =	smul.u32 $0x27100, s4  }
0x5: {  	v0 =	vlaneseq.u32;
	s10 =	simm.s32 $0xAA0;
	s7 =	smul.u32 $0x2710, s0;
	s4 =	ssub.s32 $0x2, s4  }
0x6: {  	s11 =	simm.s32 $0x0;
	[smem:$0x7FF] =	sst s3;
	v0 =	vmul.u32 $0x20, v0;
	s8 =	sshrl.u32 s4, $0x1  }
0x7: {  	_ =	strace $0x8000004A;
	s5 =	sadd.s32 s7, s5;
	s4 =	ssub.s32 s4, s8  }
0x8: {  	v1 =	vor.u32 $0x11, v0;
	v2 =	vor.u32 $0x200, v0;
	v3 =	vor.u32 $0x211, v0;
	s8 =	simm.s32 $0xA0;
	s7 =	sshrl.u32 s5, $0x3;
	s5 =	sshrl.u32 s5, $0x2  }
0x9: {  	v4 =	vor.u32 $0x400, v0;
	v5 =	vor.u32 $0x411, v0;
	v6 =	vor.u32 $0x600, v0;
	s4 =	smax.u32 s4, $0x1;
	s7 =	sadd.s32 s7, s6;
	s6 =	sadd.s32 s5, s6  }
0xa: {  	v7 =	vor.u32 $0x611, v0;
	v8 =	vor.u32 $0x800, v0;
	v9 =	vor.u32 $0x811, v0;
	s5 =	sadd.s32 $0x3D600, s7;
	s6 =	sadd.s32 $0x5AA00, s6;
	s7 =	simm.s32 $0x2  }
.LBB2_1:
0xb: {  	[tilespmem:s3], [sflag:$0x2] =	stream.linear.gather [hbm4b:s6+s3], $0xA0, $0x38;
	[tilespmem:$0xAF0] =	vst v63  }
0xc: {  	_ =	swait.ge [sflag:s7], $0xA0  }
0xd: {  	[sflag:s7] =	ssyncset.done $0x0  }
0xe: {  	[sflag:s7] =	ssyncadd.s32 $0xFFFFFF60  }
0xf: {  	[tilespmem:s8], [sflag:$0x1] =	stream.indirect.gather [hbm4b:s2+s8], $0x10, s3, s8, $0xb8;
	[tilespmem:$0xAF0] =	vst v63  }
0x10: {  	_ =	swait.ge [sflag:s9], $0xA00  }
0x11: {  	[sflag:s9] =	ssyncset.done $0x0  }
0x12: {  	[sflag:s9] =	ssyncadd.s32 $0xFFFFF600  }
0x13: {  	v10 =	vld.idx.msk [tilespmem:v0+s8+$0x0], $0xffff  }
0x14: {  	v11 =	vld.idx.msk [tilespmem:v1+s8+$0x0], $0xffff;
	_ =	sdelay $0x4  }
0x15: {  	v10 =	vadd.f32 v11, v10;
	_ =	sdelay $0x1  }
0x16: {  	v10 =	vsub.f32 $0.0e+00, v10;
	_ =	sdelay $0x1  }
0x17: {  	v10 =	vmul.f32 $1.442695020e+00, v10;
	_ =	sdelay $0x1  }
0x18: {  	(erf) = vpow2.f32 v10;
	_ =	sdelay $0x8  }
0x19: {  	v10 =	vpop (erf)  }
0x1a: {  	v10 =	vadd.f32 $1.000000000e+00, v10;
	_ =	sdelay $0x1  }
0x1b: {  	(erf) = vrcp.f32 v10;
	_ =	sdelay $0x8  }
0x1c: {  	v10 =	vpop (erf)  }
0x1d: {  	[tilespmem:$0xAA0] =	vst v10  }
0x1e: {  	v10 =	vld.idx.msk [tilespmem:v2+s8+$0x0], $0xffff  }
0x1f: {  	v11 =	vld.idx.msk [tilespmem:v3+s8+$0x0], $0xffff;
	_ =	sdelay $0x4  }
0x20: {  	v10 =	vadd.f32 v11, v10;
	_ =	sdelay $0x1  }
0x21: {  	v10 =	vsub.f32 $0.0e+00, v10;
	_ =	sdelay $0x1  }
0x22: {  	v10 =	vmul.f32 $1.442695020e+00, v10;
	_ =	sdelay $0x1  }
0x23: {  	(erf) = vpow2.f32 v10;
	_ =	sdelay $0x8  }
0x24: {  	v10 =	vpop (erf)  }
0x25: {  	v10 =	vadd.f32 $1.000000000e+00, v10;
	_ =	sdelay $0x1  }
0x26: {  	(erf) = vrcp.f32 v10;
	_ =	sdelay $0x8  }
0x27: {  	v10 =	vpop (erf)  }
0x28: {  	[tilespmem:$0xAB0] =	vst v10  }
0x29: {  	v10 =	vld.idx.msk [tilespmem:v4+s8+$0x0], $0xffff  }
0x2a: {  	v11 =	vld.idx.msk [tilespmem:v5+s8+$0x0], $0xffff;
	_ =	sdelay $0x4  }
0x2b: {  	v10 =	vadd.f32 v11, v10;
	_ =	sdelay $0x1  }
0x2c: {  	v10 =	vsub.f32 $0.0e+00, v10;
	_ =	sdelay $0x1  }
0x2d: {  	v10 =	vmul.f32 $1.442695020e+00, v10;
	_ =	sdelay $0x1  }
0x2e: {  	(erf) = vpow2.f32 v10;
	_ =	sdelay $0x8  }
0x2f: {  	v10 =	vpop (erf)  }
0x30: {  	v10 =	vadd.f32 $1.000000000e+00, v10;
	_ =	sdelay $0x1  }
0x31: {  	(erf) = vrcp.f32 v10;
	_ =	sdelay $0x8  }
0x32: {  	v10 =	vpop (erf)  }
0x33: {  	[tilespmem:$0xAC0] =	vst v10  }
0x34: {  	v10 =	vld.idx.msk [tilespmem:v6+s8+$0x0], $0xffff  }
0x35: {  	v11 =	vld.idx.msk [tilespmem:v7+s8+$0x0], $0xffff;
	_ =	sdelay $0x4  }
0x36: {  	v10 =	vadd.f32 v11, v10;
	_ =	sdelay $0x1  }
0x37: {  	v10 =	vsub.f32 $0.0e+00, v10;
	_ =	sdelay $0x1  }
0x38: {  	v10 =	vmul.f32 $1.442695020e+00, v10;
	_ =	sdelay $0x1  }
0x39: {  	(erf) = vpow2.f32 v10;
	_ =	sdelay $0x8  }
0x3a: {  	v10 =	vpop (erf)  }
0x3b: {  	v10 =	vadd.f32 $1.000000000e+00, v10;
	_ =	sdelay $0x1  }
0x3c: {  	(erf) = vrcp.f32 v10;
	_ =	sdelay $0x8  }
0x3d: {  	v10 =	vpop (erf)  }
0x3e: {  	[tilespmem:$0xAD0] =	vst v10  }
0x3f: {  	v10 =	vld.idx.msk [tilespmem:v8+s8+$0x0], $0xffff  }
0x40: {  	v11 =	vld.idx.msk [tilespmem:v9+s8+$0x0], $0xffff;
	_ =	sdelay $0x4  }
0x41: {  	v10 =	vadd.f32 v11, v10;
	_ =	sdelay $0x1  }
0x42: {  	v10 =	vsub.f32 $0.0e+00, v10;
	_ =	sdelay $0x1  }
0x43: {  	v10 =	vmul.f32 $1.442695020e+00, v10;
	_ =	sdelay $0x1  }
0x44: {  	(erf) = vpow2.f32 v10;
	_ =	sdelay $0x8  }
0x45: {  	v10 =	vpop (erf)  }
0x46: {  	v10 =	vadd.f32 $1.000000000e+00, v10;
	_ =	sdelay $0x1  }
0x47: {  	(erf) = vrcp.f32 v10;
	_ =	sdelay $0x4  }
0x48: {  	s12 =	simm.s32 $0xA;
	s15 =	sadd.s32 $0x0, s5;
	s13 =	smov.u32 s6  }
.LBB2_2:
0x49: {  	_ =	sdelay $0x1  }
0x4a: {  	p0 =	sne.s32 s12, $0x4D8  }
0x4b: {  	s13 =	sadd.s32 $0x14, s13;
	s14 =	smov.u32 s12;
	s12 =	sadd.s32 $0xA, s12;
	v10 =	vpop (erf)  }
0x4c: {  	[tilespmem:$0xAE0] =	vst v10  }
0x4d: {  	[hbm4b:s15+s3] =	stream.linear.scatter [tilespmem:s10], [sflag:$0x2], $0x50, $0x38;
	[tilespmem:$0xAF0] =	vst v63  }
0x4e: {  	_ =	swait.ge [sflag:s7], $0x50  }
0x4f: {  	[sflag:s7] =	ssyncset.done $0x0  }
0x50: {  	[sflag:s7] =	ssyncadd.s32 $0xFFFFFFB0  }
0x51: {  	[tilespmem:s3], [sflag:$0x2] =	stream.linear.gather [hbm4b:s13+s3], $0xA0, $0x38;
	[tilespmem:$0xAF0] =	vst v63  }
0x52: {  	_ =	swait.ge [sflag:s7], $0xA0  }
0x53: {  	[sflag:s7] =	ssyncset.done $0x0  }
0x54: {  	[sflag:s7] =	ssyncadd.s32 $0xFFFFFF60  }
0x55: {  	[tilespmem:s8], [sflag:$0x1] =	stream.indirect.gather [hbm4b:s2+s8], $0x10, s3, s8, $0xb8;
	[tilespmem:$0xAF0] =	vst v63  }
0x56: {  	_ =	swait.ge [sflag:s9], $0xA00  }
0x57: {  	[sflag:s9] =	ssyncset.done $0x0  }
0x58: {  	[sflag:s9] =	ssyncadd.s32 $0xFFFFF600  }
0x59: {  	v10 =	vld.idx.msk [tilespmem:v0+s8+$0x0], $0xffff  }
0x5a: {  	v11 =	vld.idx.msk [tilespmem:v1+s8+$0x0], $0xffff;
	_ =	sdelay $0x5  }
0x5b: {  	v10 =	vadd.f32 v11, v10;
	_ =	sdelay $0x1  }
0x5c: {  	v10 =	vsub.f32 $0.0e+00, v10;
	_ =	sdelay $0x1  }
0x5d: {  	v10 =	vmul.f32 $1.442695020e+00, v10;
	_ =	sdelay $0x1  }
0x5e: {  	(erf) = vpow2.f32 v10;
	_ =	sdelay $0x8  }
0x5f: {  	v10 =	vpop (erf)  }
0x60: {  	v10 =	vadd.f32 $1.000000000e+00, v10;
	_ =	sdelay $0x1  }
0x61: {  	(erf) = vrcp.f32 v10;
	_ =	sdelay $0x8  }
0x62: {  	v10 =	vpop (erf)  }
0x63: {  	[tilespmem:$0xAA0] =	vst v10  }
0x64: {  	v10 =	vld.idx.msk [tilespmem:v2+s8+$0x0], $0xffff  }
0x65: {  	v11 =	vld.idx.msk [tilespmem:v3+s8+$0x0], $0xffff;
	_ =	sdelay $0x5  }
0x66: {  	v10 =	vadd.f32 v11, v10;
	_ =	sdelay $0x1  }
0x67: {  	v10 =	vsub.f32 $0.0e+00, v10;
	_ =	sdelay $0x1  }
0x68: {  	v10 =	vmul.f32 $1.442695020e+00, v10;
	_ =	sdelay $0x1  }
0x69: {  	(erf) = vpow2.f32 v10;
	_ =	sdelay $0x8  }
0x6a: {  	v10 =	vpop (erf)  }
0x6b: {  	v10 =	vadd.f32 $1.000000000e+00, v10;
	_ =	sdelay $0x1  }
0x6c: {  	(erf) = vrcp.f32 v10;
	_ =	sdelay $0x8  }
0x6d: {  	v10 =	vpop (erf)  }
0x6e: {  	[tilespmem:$0xAB0] =	vst v10  }
0x6f: {  	v10 =	vld.idx.msk [tilespmem:v4+s8+$0x0], $0xffff  }
0x70: {  	v11 =	vld.idx.msk [tilespmem:v5+s8+$0x0], $0xffff;
	_ =	sdelay $0x5  }
0x71: {  	v10 =	vadd.f32 v11, v10;
	_ =	sdelay $0x1  }
0x72: {  	v10 =	vsub.f32 $0.0e+00, v10;
	_ =	sdelay $0x1  }
0x73: {  	v10 =	vmul.f32 $1.442695020e+00, v10;
	_ =	sdelay $0x1  }
0x74: {  	(erf) = vpow2.f32 v10;
	_ =	sdelay $0x8  }
0x75: {  	v10 =	vpop (erf)  }
0x76: {  	v10 =	vadd.f32 $1.000000000e+00, v10;
	_ =	sdelay $0x1  }
0x77: {  	(erf) = vrcp.f32 v10;
	_ =	sdelay $0x8  }
0x78: {  	v10 =	vpop (erf)  }
0x79: {  	[tilespmem:$0xAC0] =	vst v10  }
0x7a: {  	v10 =	vld.idx.msk [tilespmem:v6+s8+$0x0], $0xffff  }
0x7b: {  	v11 =	vld.idx.msk [tilespmem:v7+s8+$0x0], $0xffff;
	_ =	sdelay $0x5  }
0x7c: {  	v10 =	vadd.f32 v11, v10;
	_ =	sdelay $0x1  }
0x7d: {  	v10 =	vsub.f32 $0.0e+00, v10;
	_ =	sdelay $0x1  }
0x7e: {  	v10 =	vmul.f32 $1.442695020e+00, v10;
	_ =	sdelay $0x1  }
0x7f: {  	(erf) = vpow2.f32 v10;
	_ =	sdelay $0x8  }
0x80: {  	v10 =	vpop (erf)  }
0x81: {  	v10 =	vadd.f32 $1.000000000e+00, v10;
	_ =	sdelay $0x1  }
0x82: {  	(erf) = vrcp.f32 v10;
	_ =	sdelay $0x8  }
0x83: {  	v10 =	vpop (erf)  }
0x84: {  	[tilespmem:$0xAD0] =	vst v10  }
0x85: {  	v10 =	vld.idx.msk [tilespmem:v8+s8+$0x0], $0xffff  }
0x86: {  	v11 =	vld.idx.msk [tilespmem:v9+s8+$0x0], $0xffff;
	_ =	sdelay $0x5  }
0x87: {  	v10 =	vadd.f32 v11, v10;
	_ =	sdelay $0x1  }
0x88: {  	v10 =	vsub.f32 $0.0e+00, v10;
	_ =	sdelay $0x1  }
0x89: {  	v10 =	vmul.f32 $1.442695020e+00, v10;
	_ =	sdelay $0x1  }
0x8a: {  	(erf) = vpow2.f32 v10;
	_ =	sdelay $0x8  }
0x8b: {  	v10 =	vpop (erf)  }
0x8c: {  	v10 =	vadd.f32 $1.000000000e+00, v10;
	_ =	sdelay $0x1  }
0x8d: {  	(erf) = vrcp.f32 v10  }
.Ltmp0:
0x8e: {  	(pc) =	sbr.rel @p0 .LBB2_2-.Ltmp0, $2  }
0x8f: {  	_ =	sdelay $0x2  }
0x90: {  	s15 =	sadd.s32 s14, s5  }
0x91: {  	_ =	sdelay $0x1  }
0x92: {  	s11 =	sadd.s32 $0x1, s11  }
0x93: {  	p0 =	sne.s32 s11, s4;
	v10 =	vpop (erf)  }
.Ltmp1:
0x94: {  	[tilespmem:$0xAE0] =	vst v10;
	(pc) =	sbr.rel @p0 .LBB2_1-.Ltmp1, $4  }
0x95: {  	[hbm4b:s15+s3] =	stream.linear.scatter [tilespmem:s10], [sflag:$0x2], $0x50, $0x38;
	[tilespmem:$0xAF0] =	vst v63  }
0x96: {  	_ =	swait.ge [sflag:s7], $0x50  }
0x97: {  	[sflag:s7] =	ssyncset.done $0x0  }
0x98: {  	[sflag:s7] =	ssyncadd.s32 $0xFFFFFFB0  }
0x99: {  	_ =	sfence.sel $0x180000  }
0x9a: {  	[bflag:$0x0] =	sbarrier.arrive $0xFFFF  }
0x9b: {  	p0 =	sne.s32 s0, $0x0;
	_ =	strace $0x9000004A  }
0x9c: {  	s0 =	sadd.s32 @!p0 $0x100000, s1;
	[bflag:$0x2] =	sbarrier.arrive $0xFFFF  }
0x9d: {  	[sflag:s0] =	ssyncadd.tile.s32 @!p0 $0x1;
	_ =	shalt  }
.Lfunc_end2:
_tile_overlayer_lowered:
.L_overlay_start_2:
0x9e: {  	(tag) =	ssettag $0x2  }
0x9f: {  	s0 =	rddreg [dreg:$0x0];
	s2 =	stileid.u32  }
0xa0: {  	s1 =	rddreg [dreg:$0x1];
	p0 =	sne.s32 s2, $0x0  }
0xa1: {  	s3 =	rddreg [dreg:$0x2];
	[bflag:$0x3] =	sbarrier.arrive $0xFFFF;
	s2 =	simm.s32 @!p0 $0x1C02  }
0xa2: {  	[timem:s3], [sflag:s2] =	dma.local @!p0 [hbm:s0], s1  }
0xa3: {  	s0 =	simm.s32 @!p0 $0x2  }
0xa4: {  	_ =	swait.ge @!p0 [sflag:s0], s1  }
0xa5: {  	s1 =	ssub.s32 @!p0 $0x0, s1;
	[sflag:s0] =	ssyncset.done @!p0 $0x0  }
0xa6: {  	[sflag:s0] =	ssyncadd.s32 @!p0 s1  }
0xa7: {  	[bflag:$0x3] =	sbarrier.arrive $0xFFFF  }
0xa8: {  	_ =	shalt  }

// kernel: kernel.6.cloned.1.call-start
scs
__scs_entry_jumppad:
0x0: {  	(pc) =	sbr.rel $0x88, $3  }
0x1: {  	(tag) =	ssettag $0x0;
	lr =	simm.s32 $0x1  }
0x2: {  	[smem:$0x3F9A] =	sst lr;
	_ =	strace $0xD0000000  }
0x3: {  	_ = 	snop  }
0x4: {  	_ = 	snop  }
0x5: {  	_ = 	snop  }
0x6: {  	_ = 	snop  }
0x7: {  	_ = 	snop  }
__scs_overlays_trampoline_lowered:
0x8: {  	[smem:$0x3FA9] =	sst s0  }
0x9: {  	[smem:$0x3FAA] =	sst s1  }
0xa: {  	[smem:$0x3FAB] =	sst s2  }
0xb: {  	[smem:$0x3FAC] =	sst s3  }
0xc: {  	[smem:$0x3FAD] =	sst s4  }
0xd: {  	[smem:$0x3FAE] =	sst s5  }
0xe: {  	[smem:$0x3FAF] =	sst s6  }
0xf: {  	[smem:$0x3FB0] =	sst s7  }
0x10: {  	[smem:$0x3FB1] =	sst s8  }
0x11: {  	[smem:$0x3FB2] =	sst s9;
	s0 =	simm.s32 @!p0 $0x0  }
0x12: {  	s1 =	sld [smem:$0x3F98];
	s0 =	simm.s32 @p0 $0x1  }
0x13: {  	[smem:$0x3FB3] =	sst s0;
	s0 =	simm.s32 @!p1 $0x0  }
0x14: {  	s2 =	sld [smem:$0x3F97];
	s0 =	simm.s32 @p1 $0x1  }
0x15: {  	[smem:$0x3FB4] =	sst s0;
	s0 =	simm.s32 @!p2 $0x0  }
0x16: {  	s3 =	sld [smem:$0x3FDB];
	s0 =	simm.s32 @p2 $0x1  }
0x17: {  	s4 =	simm.s32 $0x1BF5;
	[smem:$0x3FB6] =	sst s0  }
0x18: {  	s0 =	sld [smem:$0x3F99];
	_ =	swait.ge [sflag:s4], $0x0  }
0x19: {  	s7 =	sld [smem:$0x3F9A]  }
0x1a: {  	s8 =	sadd.s32 $0xFFFFE003, lr  }
0x1b: {  	s9 =	sadd.s32 $0xFFFFFEF7, lr;
	s5 =	simm.s32 $0xFFFFFFFF;
	p2 =	slt.u32 s8, $0xFFFFF086  }
0x1c: {  	p1 =	slt.u32 s9, $0xF7A;
	s5 =	simm.s32 @!p2 $0x0  }
0x1d: {  	s5 =	simm.s32 @p1 $0x1;
	p0 =	seq.s32 s7, s2  }
0x1e: {  	s7 =	smul.u32 @!p0 $0xF7A, s2;
	p2 =	seq.s32 @!p0 s5, $0x0  }
0x1f: {  	s9 =	smul.u32 $0xF7A, s1;
	s8 =	simm.s32 @!p0 $0x1BF5;
	p2 =	por !p2, p0  }
0x20: {  	[sflag:s8] =	ssyncset.s32 @!p0 $0xFFFFF086;
	s6 =	sadd.s32 @!p0 s3, s7;
	s7 =	simm.s32 @!p0 $0x108  }
0x21: {  	s3 =	sadd.s32 s3, s9;
	s6 =	sadd.s32 @!p0 $0x88, s6;
	s7 =	simm.s32 @p2 $0x1082  }
0x22: {  	[simem:s7], [sflag:s8] =	dma.local @!p0 [hbm:s6], $0xF7A  }
0x23: {  	s9 =	sor.u32 $0xD0000000, s2;
	s6 =	simm.s32 $0x108;
	_ =	swait.ge @!p0 [sflag:s8], $0x0  }
0x24: {  	s3 =	sadd.s32 $0x88, s3;
	s6 =	simm.s32 @!p1 $0x1082;
	[sflag:s4] =	ssyncset.s32 $0xFFFFF086  }
0x25: {  	[simem:s6], [sflag:s4] =	dma.local [hbm:s3], $0xF7A  }
0x26: {  	[smem:$0x3F9A] =	sst s1;
	(tag) =	ssettag s2;
	_ =	strace s9  }
0x27: {  	s1 =	sld [smem:$0x3FAA]  }
0x28: {  	s2 =	sld [smem:$0x3FAB]  }
0x29: {  	s4 =	sld [smem:$0x3FAD]  }
0x2a: {  	p0 =	seq.s32 s5, $0x0;
	s5 =	sld [smem:$0x3FAE]  }
0x2b: {  	s6 =	sld [smem:$0x3FAF]  }
0x2c: {  	s7 =	sld [smem:$0x3FB0]  }
0x2d: {  	s3 =	simm.s32 $0x108;
	s8 =	sld [smem:$0x3FB1]  }
0x2e: {  	s3 =	simm.s32 @!p0 $0x1082;
	s9 =	sld [smem:$0x3FB2]  }
0x2f: {  	lr =	sadd.s32 s0, s3;
	s0 =	sld [smem:$0x3FA9]  }
0x30: {  	s3 =	sld [smem:$0x3FAC]  }
0x31: {  	[smem:$0x3FB5] =	sst s10  }
0x32: {  	s10 =	sld [smem:$0x3FB3];
	_ =	sdelay $0x3  }
0x33: {  	p0 =	seq.s32 s10, $0x1;
	s10 =	sld [smem:$0x3FB5];
	_ =	sdelay $0x3  }
0x34: {  	[smem:$0x3FB5] =	sst s10  }
0x35: {  	s10 =	sld [smem:$0x3FB4];
	_ =	sdelay $0x3  }
0x36: {  	p1 =	seq.s32 s10, $0x1;
	s10 =	sld [smem:$0x3FB5];
	_ =	sdelay $0x3  }
0x37: {  	[smem:$0x3FB5] =	sst s10  }
0x38: {  	s10 =	sld [smem:$0x3FB6]  }
0x39: {  	_ = 	snop;
	(pc) =	sbr.ind lr, $3  }
0x3a: {  	_ = 	snop  }
0x3b: {  	_ = 	snop  }
0x3c: {  	p2 =	seq.s32 s10, $0x1;
	s10 =	sld [smem:$0x3FB5]  }
0x3d: {  	_ =	shalt  }
0x3e: {  	_ =	shalt  }
0x3f: {  	_ =	shalt  }
0x40: {  	_ =	shalt  }
0x41: {  	_ =	shalt  }
0x42: {  	_ =	shalt  }
0x43: {  	_ =	shalt  }
0x44: {  	_ =	shalt  }
0x45: {  	_ =	shalt  }
0x46: {  	_ =	shalt  }
0x47: {  	_ =	shalt  }
0x48: {  	_ =	shalt  }
0x49: {  	_ =	shalt  }
0x4a: {  	_ =	shalt  }
0x4b: {  	_ =	shalt  }
0x4c: {  	_ =	shalt  }
0x4d: {  	_ =	shalt  }
0x4e: {  	_ =	shalt  }
0x4f: {  	_ =	shalt  }
0x50: {  	_ =	shalt  }
0x51: {  	_ =	shalt  }
0x52: {  	_ =	shalt  }
0x53: {  	_ =	shalt  }
0x54: {  	_ =	shalt  }
0x55: {  	_ =	shalt  }
0x56: {  	_ =	shalt  }
0x57: {  	_ =	shalt  }
0x58: {  	_ =	shalt  }
0x59: {  	_ =	shalt  }
0x5a: {  	_ =	shalt  }
0x5b: {  	_ =	shalt  }
0x5c: {  	_ =	shalt  }
0x5d: {  	_ =	shalt  }
0x5e: {  	_ =	shalt  }
0x5f: {  	_ =	shalt  }
0x60: {  	_ =	shalt  }
0x61: {  	_ =	shalt  }
0x62: {  	_ =	shalt  }
0x63: {  	_ =	shalt  }
0x64: {  	_ =	shalt  }
0x65: {  	_ =	shalt  }
0x66: {  	_ =	shalt  }
0x67: {  	_ =	shalt  }
0x68: {  	_ =	shalt  }
0x69: {  	_ =	shalt  }
0x6a: {  	_ =	shalt  }
0x6b: {  	_ =	shalt  }
0x6c: {  	_ =	shalt  }
0x6d: {  	_ =	shalt  }
0x6e: {  	_ =	shalt  }
0x6f: {  	_ =	shalt  }
0x70: {  	_ =	shalt  }
0x71: {  	_ =	shalt  }
0x72: {  	_ =	shalt  }
0x73: {  	_ =	shalt  }
0x74: {  	_ =	shalt  }
0x75: {  	_ =	shalt  }
0x76: {  	_ =	shalt  }
0x77: {  	_ =	shalt  }
0x78: {  	_ =	shalt  }
0x79: {  	_ =	shalt  }
0x7a: {  	_ =	shalt  }
0x7b: {  	_ =	shalt  }
0x7c: {  	_ =	shalt  }
0x7d: {  	_ =	shalt  }
0x7e: {  	_ =	shalt  }
0x7f: {  	_ =	shalt  }
0x80: {  	_ =	shalt  }
0x81: {  	_ =	shalt  }
0x82: {  	_ =	shalt  }
0x83: {  	_ =	shalt  }
0x84: {  	_ =	shalt  }
0x85: {  	_ =	shalt  }
0x86: {  	_ =	shalt  }
0x87: {  	_ =	shalt  }
.Lfunc_end0:
.L_simem_size_0:
called_computation_lowered:
.L_overlay_start_0:
0x88: {  	s2 =	sld [smem:$0x3FD9]  }
0x89: {  	s3 =	sld [smem:$0x3FFE];
	_ =	sdelay $0x1  }
0x8a: {  	s1 =	srdreg.scid  }
0x8b: {  	s0 =	sand.u32 $0x1, s1  }
0x8c: {  	s17 =	sshll.u32 s0, $0xA;
	s2 =	sadd.s32 s3, s2  }
0x8d: {  	s2 =	sadd.s32 s2, s17  }
0x8e: {  	[smem:$0x3FC1] =	sst s2  }
0x8f: {  	_ = 	snop  }
0x90: {  	s2 =	sld [smem:$0x3FC9];
	(tm) =	ssettm $0x1  }
0x91: {  	s18 =	sld [smem:$0x3FFB];
	_ =	sdelay $0x3  }
0x92: {  	_ =	strace s18  }
0x93: {  	s3 =	sld [smem:$0x3FFC];
	_ =	sdelay $0x3  }
0x94: {  	_ =	strace s3  }
0x95: {  	s3 =	sld [smem:$0x3FFD];
	_ =	sdelay $0x3  }
0x96: {  	_ =	strace s3  }
0x97: {  	_ =	strace $0x8FFFFFFF  }
0x98: {  	s19 =	sld [smem:$0x3FDB];
	_ =	sdelay $0x1  }
0x99: {  	s4 =	simm.s32 $_scs_section_size  }
0x9a: {  	s5 =	simm.s32 $_size__tile_overlayer_lowered;
	s6 =	simm.s32 $_tile_overlayer_lowered  }
0x9b: {  	s22 =	simm.s32 $0x1BFF;
	s21 =	sshll.u32 s6, $0x1;
	s3 =	sadd.s32 s4, s19  }
0x9c: {  	s7 =	simm.s32 $0x0;
	s20 =	sshll.u32 s5, $0x1;
	s5 =	sadd.s32 s21, s3  }
0x9d: {  	[timem:s7], [sflag:s22] =	dma.local [hbm:s5], s20  }
0x9e: {  	_ =	swait.ge [sflag:s22], s20  }
0x9f: {  	s4 =	ssub.s32 $0x0, s20;
	[sflag:s22] =	ssyncset.done $0x0  }
0xa0: {  	[sflag:s22] =	ssyncadd.s32 s4;
	_ =	sdelay $0x1  }
0xa1: {  	s23 =	simm.s32 $0x1B8B  }
0xa2: {  	_ =	swait.ge [sflag:s23], $0x1  }
0xa3: {  	[sflag:s23] =	ssyncset.done $0x0  }
0xa4: {  	s25 =	simm.s32 $0x1B8E;
	s24 =	sld [smem:$0x3FFE];
	[sflag:s23] =	ssyncadd.s32 $0xFFFFFFFF  }
0xa5: {  	s26 =	simm.s32 $execute0_lowered;
	[smem:$0x3FD2] =	sst s25  }
0xa6: {  	s5 =	sshll.u32 s26, $0x1;
	_ =	strace $0x80000046;
	[dreg:$0x1] =	wrdreg $0xFFFFFFFF  }
0xa7: {  	s28 =	simm.s32 $_size_execute0_lowered;
	s3 =	sadd.s32 s3, s5;
	[dreg:$0x0] =	wrdreg $0x0  }
0xa8: {  	s5 =	sshll.u32 s28, $0x1;
	[dreg:$0x2] =	wrdreg s3  }
0xa9: {  	[dreg:$0x3] =	wrdreg s5  }
0xaa: {  	[dreg:$0x4] =	wrdreg $0xC0  }
0xab: {  	_ =	task [dreg:s7], $0x5FFFF  }
0xac: {  	[dreg:$0x1] =	wrdreg $0xFFFFFFFF  }
0xad: {  	[dreg:$0x0] =	wrdreg $0x60  }
0xae: {  	[dreg:$0x2] =	wrdreg s2  }
0xaf: {  	[dreg:$0x3] =	wrdreg s24  }
0xb0: {  	[dreg:$0x4] =	wrdreg $0xE4200  }
0xb1: {  	[dreg:$0x5] =	wrdreg $0x9  }
0xb2: {  	_ =	task.clear_ibuf [dreg:s7], $0x6FFFF;
	_ =	strace $0x90000046  }
0xb3: {  	s29 =	simm.s32 $0x9;
	_ =	strace $0x80000048  }
0xb4: {  	_ =	swait.ge [sflag:s29], $0x1  }
0xb5: {  	[sflag:s29] =	ssyncadd.s32 $0xFFFFFFFF  }
0xb6: {  	_ =	strace $0x90000048  }
0xb7: {  	_ =	sfence  }
0xb8: {  	s30 =	sld [smem:$0x0];
	_ =	sdelay $0x2  }
0xb9: {  	s31 =	sshll.u32 s1, $0xD;
	s1 =	sshrl.u32 s1, $0x2  }
0xba: {  	s3 =	sand.u32 $0x4000, s31;
	s1 =	sadd.s32 s1, s30  }
0xbb: {  	s0 =	sor.u32 s3, s0;
	s1 =	sshll.u32 s1, $0x11  }
0xbc: {  	s0 =	sor.u32 s1, s0  }
0xbd: {  	s0 =	sadd.s32 $0x8F2B, s0  }
0xbe: {  	[sflag:s0] =	ssyncadd.remote.s32 $0x1  }
0xbf: {  	_ =	sfence.sel $0xFFFF  }
0xc0: {  	[dreg:$0x0] =	wrdreg $0xFFFFFFFF;
	(pc) =	sbr.abs _section_cstart, $3  }
0xc1: {  	[dreg:$0x1] =	wrdreg $0xFFFFFFFF  }
0xc2: {  	_ =	task.clear_ibuf [dreg:s7], $0x2FFFF;
	_ =	strace $0x9FFFFFFF  }
0xc3: {  	(tm) =	ssettm $0x7FFFFFFF  }
tec
execute0_lowered:
.L_overlay_start_1:
0x0: {  	(tag) =	ssettag $0x1  }
0x1: {  	s2 =	rddreg [dreg:$0x0]  }
0x2: {  	s7 =	rddreg [dreg:$0x1]  }
0x3: {  	s3 =	rddreg [dreg:$0x2]  }
0x4: {  	s0 =	rddreg [dreg:$0x3]  }
0x5: {  	s1 =	stileid.u32;
	s5 =	srdreg.scid  }
0x6: {  	s4 =	simm.s32 $0x0;
	s14 =	simm.s32 $0xE100;
	s16 =	simm.s32 $0xE290  }
0x7: {  	s17 =	simm.s32 $0x0;
	s8 =	smul.u32 $0xB880, s1;
	s9 =	sand.u32 $0x1, s5  }
0x8: {  	[smem:$0x7FF] =	sst s4;
	s5 =	sadd.s32 $0xB800, s7;
	s6 =	smul.u32 $0xB8800, s9  }
0x9: {  	s31 =	sshll.u32 s1, $0x6;
	_ =	strace $0x80000047;
	s15 =	smul.u32 $0xFFFFEC00, s9  }
0xa: {  	s12 =	ssub.s32 $0x2, s9;
	s9 =	smul.u32 $0x4E20, s1;
	s10 =	sshrl.u32 s8, $0x3  }
0xb: {  	s30 =	sshrl.u32 s12, $0x1;
	s13 =	sadd.s32 s8, s3;
	s6 =	sadd.s32 s8, s6  }
0xc: {  	s10 =	sadd.s32 s10, s7;
	s12 =	ssub.s32 s12, s30;
	s11 =	sshrl.u32 s6, $0x3  }
0xd: {  	s8 =	sor.u32 $0x1C01, s31;
	v0 =	vmov s15;
	s15 =	simm.s32 $0x190;
	s11 =	sadd.s32 s11, s7  }
0xe: {  	v1 =	vlaneseq.u32;
	s6 =	sadd.s32 $0x1600, s7;
	s7 =	sadd.s32 $0x15600, s10;
	s10 =	sadd.s32 $0x2C800, s11  }
0xf: {  	v1 =	vor.u32 $0x1400, v1;
	s11 =	smax.u32 s12, $0x1;
	s12 =	sshrl.u32 s13, $0x3;
	s13 =	simm.s32 $0x1  }
.LBB2_1:
0x10: {  	[spmem:s12], [sflag:s8] =	dma.local [hbm:s7], $0x1710  }
0x11: {  	_ =	swait.ge [sflag:s13], $0x1710  }
0x12: {  	s18 =	simm.s32 $0x80;
	s19 =	simm.s32 $0x2;
	[sflag:s13] =	ssyncset.done $0x0  }
0x13: {  	s21 =	sadd.s32 $0x0, s6;
	s20 =	simm.s32 $0x110;
	[sflag:s13] =	ssyncadd.s32 $0xFFFFE8F0  }
.LBB2_2:
0x14: {  	[tilespmem:s18], [sflag:$0x1] =	stream.linear.gather [hbm4b:s21+s4], $0x10, $0x38;
	[tilespmem:$0x19CA0] =	vst v63  }
0x15: {  	s21 =	smov.u32 s19;
	s18 =	smov.u32 s20;
	p0 =	sne.s32 s19, $0x31E  }
.Ltmp0:
0x16: {  	s19 =	sadd.s32 $0x2, s19;
	(pc) =	sbr.rel @p0 .LBB2_2-.Ltmp0, $2  }
0x17: {  	_ =	sdelay $0x2  }
0x18: {  	s20 =	sadd.s32 $0x90, s20;
	s21 =	sadd.s32 s21, s6  }
0x19: {  	[tilespmem:s18], [sflag:$0x1] =	stream.linear.gather [hbm4b:s21+s4], $0x10, $0x38;
	[tilespmem:$0x19CA0] =	vst v63  }
0x1a: {  	_ =	swait.ge [sflag:s13], $0x1900  }
0x1b: {  	[sflag:s13] =	ssyncset.done $0x0  }
0x1c: {  	[sflag:s13] =	ssyncadd.s32 $0xFFFFE700  }
0x1d: {  	s18 =	simm.s32 $0x0;
	s19 =	simm.s32 $0x0;
	[bflag:$0x0] =	sbarrier.arrive $0xFFFF  }
.LBB2_4:
0x1e: {  	s20 =	smul.u32 $0x190, s19;
	_ =	sdelay $0x1  }
0x1f: {  	s20 =	sadd.s32 s9, s20  }
0x20: {  	s21 =	sshrl.u32 s20, $0x3  }
0x21: {  	s21 =	sadd.s32 s5, s21  }
0x22: {  	[tilespmem:s14], [sflag:$0x1] =	stream.linear.gather [hbm4b:s21+s18], $0x190, $0x38;
	[tilespmem:$0x19CA0] =	vst v63  }
0x23: {  	s22 =	simm.s32 $0x90;
	s20 =	sshll.u32 s20, $0x4;
	_ =	swait.ge [sflag:s13], $0x190  }
0x24: {  	s23 =	simm.s32 $0x0;
	s20 =	sadd.s32 s2, s20;
	[sflag:s13] =	ssyncset.done $0x0  }
0x25: {  	s21 =	simm.s32 $0x10;
	s24 =	sadd.s32 $0x0, s20;
	[sflag:s13] =	ssyncadd.s32 $0xFFFFFE70  }
.LBB2_5:
0x26: {  	[tilespmem:s23], [sflag:$0x1] =	stream.linear.gather [hbm4b:s24+s4], $0x80, $0x38;
	[tilespmem:$0x19CA0] =	vst v63  }
0x27: {  	s24 =	smov.u32 s21;
	s23 =	smov.u32 s22;
	p0 =	sne.s32 s21, $0x18F0  }
.Ltmp1:
0x28: {  	s21 =	sadd.s32 $0x10, s21;
	(pc) =	sbr.rel @p0 .LBB2_5-.Ltmp1, $2  }
0x29: {  	_ =	sdelay $0x2  }
0x2a: {  	s22 =	sadd.s32 $0x90, s22;
	s24 =	sadd.s32 s24, s20  }
0x2b: {  	[tilespmem:s23], [sflag:$0x1] =	stream.linear.gather [hbm4b:s24+s4], $0x80, $0x38;
	[tilespmem:$0x19CA0] =	vst v63  }
0x2c: {  	_ =	swait.ge [sflag:s13], $0xC800  }
0x2d: {  	[sflag:s13] =	ssyncset.done $0x0  }
0x2e: {  	s20 =	simm.s32 $0x0;
	[sflag:s13] =	ssyncadd.s32 $0xFFFF3800  }
0x2f: {  	s21 =	simm.s32 $0x40;
	v2 =	vld [tilespmem:s20+$0xE100]  }
.LBB2_7:
0x30: {  	_ =	sdelay $0x1  }
0x31: {  	p0 =	sne.s32 s21, $0x600  }
.Ltmp2:
0x32: {  	_ = 	snop;
	(pc) =	sbr.rel @p0 .LBB2_7-.Ltmp2, $4  }
0x33: {  	v3 =	vadd.s32 v0, v2  }
0x34: {  	vm0 =	vlt.u32 v3, $0x1400  }
0x35: {  	s22 =	sshra.s32 s21, $0x2;
	v3 =	vsel vm0, v3, v1  }
0x36: {  	s21 =	sadd.s32 $0x40, s21;
	v2 =	vld [tilespmem:s22+$0xE100];
	[tilespmem:s20+$0xE290] =	vst v3;
	s20 =	smov.u32 s22  }
0x37: {  	_ =	sdelay $0x3  }
0x38: {  	v2 =	vadd.s32 v0, v2  }
0x39: {  	s19 =	sadd.s32 $0x1, s19;
	vm0 =	vlt.u32 v2, $0x1400  }
0x3a: {  	p0 =	sne.s32 s19, $0x32;
	v2 =	vsel vm0, v2, v1  }
.Ltmp3:
0x3b: {  	[tilespmem:s20+$0xE290] =	vst v2;
	(pc) =	sbr.rel @p0 .LBB2_4-.Ltmp3, $4  }
0x3c: {  	[spmem:s3] =	stream.indirect.scatter.add.f32 [tilespmem:s4], [sflag:$0x1], $0x90, s16, s15, $0xb8;
	[tilespmem:$0x19CA0] =	vst v63  }
0x3d: {  	_ =	swait.ge [sflag:s13], $0xE100  }
0x3e: {  	[sflag:s13] =	ssyncset.done $0x0  }
0x3f: {  	[sflag:s13] =	ssyncadd.s32 $0xFFFF1F00  }
0x40: {  	s17 =	sadd.s32 $0x1, s17  }
0x41: {  	p0 =	sne.s32 s17, s11  }
.Ltmp4:
0x42: {  	[bflag:$0x0] =	sbarrier.arrive $0xFFFF;
	(pc) =	sbr.rel @p0 .LBB2_1-.Ltmp4, $4  }
0x43: {  	[hbm:s10], [sflag:s8] =	dma.local [spmem:s12], $0x1710  }
0x44: {  	_ =	swait.ge [sflag:s13], $0x1710  }
0x45: {  	[sflag:s13] =	ssyncset.done $0x0  }
0x46: {  	[sflag:s13] =	ssyncadd.s32 $0xFFFFE8F0  }
0x47: {  	_ =	sfence.sel $0x180000  }
0x48: {  	[bflag:$0x0] =	sbarrier.arrive $0xFFFF  }
0x49: {  	p0 =	sne.s32 s1, $0x0;
	_ =	strace $0x90000047  }
0x4a: {  	s0 =	sadd.s32 @!p0 $0x100000, s0;
	[bflag:$0x2] =	sbarrier.arrive $0xFFFF  }
0x4b: {  	[sflag:s0] =	ssyncadd.tile.s32 @!p0 $0x1;
	_ =	shalt  }
.Lfunc_end2:
_tile_overlayer_lowered:
.L_overlay_start_2:
0x4c: {  	(tag) =	ssettag $0x2  }
0x4d: {  	s0 =	rddreg [dreg:$0x0];
	s2 =	stileid.u32  }
0x4e: {  	s1 =	rddreg [dreg:$0x1];
	p0 =	sne.s32 s2, $0x0  }
0x4f: {  	s3 =	rddreg [dreg:$0x2];
	[bflag:$0x3] =	sbarrier.arrive $0xFFFF;
	s2 =	simm.s32 @!p0 $0x1C01  }
0x50: {  	[timem:s3], [sflag:s2] =	dma.local @!p0 [hbm:s0], s1  }
0x51: {  	s0 =	simm.s32 @!p0 $0x1  }
0x52: {  	_ =	swait.ge @!p0 [sflag:s0], s1  }
0x53: {  	s1 =	ssub.s32 @!p0 $0x0, s1;
	[sflag:s0] =	ssyncset.done @!p0 $0x0  }
0x54: {  	[sflag:s0] =	ssyncadd.s32 @!p0 s1  }
0x55: {  	[bflag:$0x3] =	sbarrier.arrive $0xFFFF  }
0x56: {  	_ =	shalt  }

// kernel: kernel.9.cloned.1.call-start
scs
__scs_entry_jumppad:
0x0: {  	(pc) =	sbr.rel $0x88, $3  }
0x1: {  	(tag) =	ssettag $0x0;
	lr =	simm.s32 $0x1  }
0x2: {  	[smem:$0x3F9A] =	sst lr;
	_ =	strace $0xD0000000  }
0x3: {  	_ = 	snop  }
0x4: {  	_ = 	snop  }
0x5: {  	_ = 	snop  }
0x6: {  	_ = 	snop  }
0x7: {  	_ = 	snop  }
__scs_overlays_trampoline_lowered:
0x8: {  	[smem:$0x3FA9] =	sst s0  }
0x9: {  	[smem:$0x3FAA] =	sst s1  }
0xa: {  	[smem:$0x3FAB] =	sst s2  }
0xb: {  	[smem:$0x3FAC] =	sst s3  }
0xc: {  	[smem:$0x3FAD] =	sst s4  }
0xd: {  	[smem:$0x3FAE] =	sst s5  }
0xe: {  	[smem:$0x3FAF] =	sst s6  }
0xf: {  	[smem:$0x3FB0] =	sst s7  }
0x10: {  	[smem:$0x3FB1] =	sst s8  }
0x11: {  	[smem:$0x3FB2] =	sst s9;
	s0 =	simm.s32 @!p0 $0x0  }
0x12: {  	s1 =	sld [smem:$0x3F98];
	s0 =	simm.s32 @p0 $0x1  }
0x13: {  	[smem:$0x3FB3] =	sst s0;
	s0 =	simm.s32 @!p1 $0x0  }
0x14: {  	s2 =	sld [smem:$0x3F97];
	s0 =	simm.s32 @p1 $0x1  }
0x15: {  	[smem:$0x3FB4] =	sst s0;
	s0 =	simm.s32 @!p2 $0x0  }
0x16: {  	s3 =	sld [smem:$0x3FDB];
	s0 =	simm.s32 @p2 $0x1  }
0x17: {  	s4 =	simm.s32 $0x1BF5;
	[smem:$0x3FB6] =	sst s0  }
0x18: {  	s0 =	sld [smem:$0x3F99];
	_ =	swait.ge [sflag:s4], $0x0  }
0x19: {  	s7 =	sld [smem:$0x3F9A]  }
0x1a: {  	s8 =	sadd.s32 $0xFFFFE003, lr  }
0x1b: {  	s9 =	sadd.s32 $0xFFFFFEF7, lr;
	s5 =	simm.s32 $0xFFFFFFFF;
	p2 =	slt.u32 s8, $0xFFFFF086  }
0x1c: {  	p1 =	slt.u32 s9, $0xF7A;
	s5 =	simm.s32 @!p2 $0x0  }
0x1d: {  	s5 =	simm.s32 @p1 $0x1;
	p0 =	seq.s32 s7, s2  }
0x1e: {  	s7 =	smul.u32 @!p0 $0xF7A, s2;
	p2 =	seq.s32 @!p0 s5, $0x0  }
0x1f: {  	s9 =	smul.u32 $0xF7A, s1;
	s8 =	simm.s32 @!p0 $0x1BF5;
	p2 =	por !p2, p0  }
0x20: {  	[sflag:s8] =	ssyncset.s32 @!p0 $0xFFFFF086;
	s6 =	sadd.s32 @!p0 s3, s7;
	s7 =	simm.s32 @!p0 $0x108  }
0x21: {  	s3 =	sadd.s32 s3, s9;
	s6 =	sadd.s32 @!p0 $0x88, s6;
	s7 =	simm.s32 @p2 $0x1082  }
0x22: {  	[simem:s7], [sflag:s8] =	dma.local @!p0 [hbm:s6], $0xF7A  }
0x23: {  	s9 =	sor.u32 $0xD0000000, s2;
	s6 =	simm.s32 $0x108;
	_ =	swait.ge @!p0 [sflag:s8], $0x0  }
0x24: {  	s3 =	sadd.s32 $0x88, s3;
	s6 =	simm.s32 @!p1 $0x1082;
	[sflag:s4] =	ssyncset.s32 $0xFFFFF086  }
0x25: {  	[simem:s6], [sflag:s4] =	dma.local [hbm:s3], $0xF7A  }
0x26: {  	[smem:$0x3F9A] =	sst s1;
	(tag) =	ssettag s2;
	_ =	strace s9  }
0x27: {  	s1 =	sld [smem:$0x3FAA]  }
0x28: {  	s2 =	sld [smem:$0x3FAB]  }
0x29: {  	s4 =	sld [smem:$0x3FAD]  }
0x2a: {  	p0 =	seq.s32 s5, $0x0;
	s5 =	sld [smem:$0x3FAE]  }
0x2b: {  	s6 =	sld [smem:$0x3FAF]  }
0x2c: {  	s7 =	sld [smem:$0x3FB0]  }
0x2d: {  	s3 =	simm.s32 $0x108;
	s8 =	sld [smem:$0x3FB1]  }
0x2e: {  	s3 =	simm.s32 @!p0 $0x1082;
	s9 =	sld [smem:$0x3FB2]  }
0x2f: {  	lr =	sadd.s32 s0, s3;
	s0 =	sld [smem:$0x3FA9]  }
0x30: {  	s3 =	sld [smem:$0x3FAC]  }
0x31: {  	[smem:$0x3FB5] =	sst s10  }
0x32: {  	s10 =	sld [smem:$0x3FB3];
	_ =	sdelay $0x3  }
0x33: {  	p0 =	seq.s32 s10, $0x1;
	s10 =	sld [smem:$0x3FB5];
	_ =	sdelay $0x3  }
0x34: {  	[smem:$0x3FB5] =	sst s10  }
0x35: {  	s10 =	sld [smem:$0x3FB4];
	_ =	sdelay $0x3  }
0x36: {  	p1 =	seq.s32 s10, $0x1;
	s10 =	sld [smem:$0x3FB5];
	_ =	sdelay $0x3  }
0x37: {  	[smem:$0x3FB5] =	sst s10  }
0x38: {  	s10 =	sld [smem:$0x3FB6]  }
0x39: {  	_ = 	snop;
	(pc) =	sbr.ind lr, $3  }
0x3a: {  	_ = 	snop  }
0x3b: {  	_ = 	snop  }
0x3c: {  	p2 =	seq.s32 s10, $0x1;
	s10 =	sld [smem:$0x3FB5]  }
0x3d: {  	_ =	shalt  }
0x3e: {  	_ =	shalt  }
0x3f: {  	_ =	shalt  }
0x40: {  	_ =	shalt  }
0x41: {  	_ =	shalt  }
0x42: {  	_ =	shalt  }
0x43: {  	_ =	shalt  }
0x44: {  	_ =	shalt  }
0x45: {  	_ =	shalt  }
0x46: {  	_ =	shalt  }
0x47: {  	_ =	shalt  }
0x48: {  	_ =	shalt  }
0x49: {  	_ =	shalt  }
0x4a: {  	_ =	shalt  }
0x4b: {  	_ =	shalt  }
0x4c: {  	_ =	shalt  }
0x4d: {  	_ =	shalt  }
0x4e: {  	_ =	shalt  }
0x4f: {  	_ =	shalt  }
0x50: {  	_ =	shalt  }
0x51: {  	_ =	shalt  }
0x52: {  	_ =	shalt  }
0x53: {  	_ =	shalt  }
0x54: {  	_ =	shalt  }
0x55: {  	_ =	shalt  }
0x56: {  	_ =	shalt  }
0x57: {  	_ =	shalt  }
0x58: {  	_ =	shalt  }
0x59: {  	_ =	shalt  }
0x5a: {  	_ =	shalt  }
0x5b: {  	_ =	shalt  }
0x5c: {  	_ =	shalt  }
0x5d: {  	_ =	shalt  }
0x5e: {  	_ =	shalt  }
0x5f: {  	_ =	shalt  }
0x60: {  	_ =	shalt  }
0x61: {  	_ =	shalt  }
0x62: {  	_ =	shalt  }
0x63: {  	_ =	shalt  }
0x64: {  	_ =	shalt  }
0x65: {  	_ =	shalt  }
0x66: {  	_ =	shalt  }
0x67: {  	_ =	shalt  }
0x68: {  	_ =	shalt  }
0x69: {  	_ =	shalt  }
0x6a: {  	_ =	shalt  }
0x6b: {  	_ =	shalt  }
0x6c: {  	_ =	shalt  }
0x6d: {  	_ =	shalt  }
0x6e: {  	_ =	shalt  }
0x6f: {  	_ =	shalt  }
0x70: {  	_ =	shalt  }
0x71: {  	_ =	shalt  }
0x72: {  	_ =	shalt  }
0x73: {  	_ =	shalt  }
0x74: {  	_ =	shalt  }
0x75: {  	_ =	shalt  }
0x76: {  	_ =	shalt  }
0x77: {  	_ =	shalt  }
0x78: {  	_ =	shalt  }
0x79: {  	_ =	shalt  }
0x7a: {  	_ =	shalt  }
0x7b: {  	_ =	shalt  }
0x7c: {  	_ =	shalt  }
0x7d: {  	_ =	shalt  }
0x7e: {  	_ =	shalt  }
0x7f: {  	_ =	shalt  }
0x80: {  	_ =	shalt  }
0x81: {  	_ =	shalt  }
0x82: {  	_ =	shalt  }
0x83: {  	_ =	shalt  }
0x84: {  	_ =	shalt  }
0x85: {  	_ =	shalt  }
0x86: {  	_ =	shalt  }
0x87: {  	_ =	shalt  }
.Lfunc_end0:
.L_simem_size_0:
called_computation.1_lowered:
.L_overlay_start_0:
0x88: {  	s2 =	sld [smem:$0x3FD9]  }
0x89: {  	s3 =	sld [smem:$0x3FFE];
	_ =	sdelay $0x1  }
0x8a: {  	s1 =	srdreg.scid  }
0x8b: {  	s0 =	sand.u32 $0x1, s1  }
0x8c: {  	s15 =	sshll.u32 s0, $0xA;
	s2 =	sadd.s32 s3, s2  }
0x8d: {  	s2 =	sadd.s32 s2, s15  }
0x8e: {  	[smem:$0x3FC1] =	sst s2  }
0x8f: {  	_ = 	snop  }
0x90: {  	s2 =	sld [smem:$0x3FD0];
	_ =	sdelay $0x2  }
0x91: {  	s16 =	simm.s32 $0xB;
	s4 =	simm.s32 $0x10  }
0x92: {  	[smem:s4], [sflag:s16] =	dma.local [hbm:s2], $0x1  }
0x93: {  	_ =	swait.eq [sflag:s16], $0x1  }
0x94: {  	[sflag:s16] =	ssyncset.done $0x0  }
0x95: {  	[sflag:s16] =	ssyncadd.s32 $0xFFFFFFFF  }
0x96: {  	s17 =	sld [smem:$0x11];
	(tm) =	ssettm $0x1  }
0x97: {  	s18 =	sld [smem:$0x3FFB];
	_ =	sdelay $0x3  }
0x98: {  	_ =	strace s18  }
0x99: {  	s2 =	sld [smem:$0x3FFC];
	_ =	sdelay $0x3  }
0x9a: {  	_ =	strace s2  }
0x9b: {  	s2 =	sld [smem:$0x3FFD];
	_ =	sdelay $0x3  }
0x9c: {  	_ =	strace s2  }
0x9d: {  	_ =	strace $0x8FFFFFFF  }
0x9e: {  	s19 =	sld [smem:$0x3FDB];
	_ =	sdelay $0x1  }
0x9f: {  	s20 =	simm.s32 $_scs_section_size  }
0xa0: {  	s5 =	simm.s32 $_size__tile_overlayer_lowered;
	s6 =	simm.s32 $_tile_overlayer_lowered  }
0xa1: {  	s7 =	simm.s32 $0x1BFF;
	s21 =	sshll.u32 s6, $0x1;
	s4 =	sadd.s32 s20, s19  }
0xa2: {  	s22 =	simm.s32 $0x0;
	s5 =	sshll.u32 s5, $0x1;
	s6 =	sadd.s32 s21, s4  }
0xa3: {  	[timem:s22], [sflag:s7] =	dma.local [hbm:s6], s5  }
0xa4: {  	_ =	swait.ge [sflag:s7], s5  }
0xa5: {  	s5 =	ssub.s32 $0x0, s5;
	[sflag:s7] =	ssyncset.done $0x0  }
0xa6: {  	[sflag:s7] =	ssyncadd.s32 s5;
	_ =	sdelay $0x1  }
0xa7: {  	s23 =	simm.s32 $0x1B8B  }
0xa8: {  	_ =	swait.ge [sflag:s23], $0x1  }
0xa9: {  	[sflag:s23] =	ssyncset.done $0x0  }
0xaa: {  	[sflag:s23] =	ssyncadd.s32 $0xFFFFFFFF  }
0xab: {  	s5 =	sld [smem:$0x0]  }
0xac: {  	s6 =	sand.u32 $0xFFFFFFFE, s1  }
0xad: {  	p0 =	sne.s32 s1, s6  }
0xae: {  	s6 =	sshll.u32 @p0 s6, $0xE  }
0xaf: {  	s6 =	sadd.s32 @p0 $0x11B8D, s6;
	s7 =	sshll.u32 @p0 s5, $0x11  }
0xb0: {  	s6 =	sor.u32 @p0 s7, s6  }
0xb1: {  	[sflag:s6] =	ssyncadd.remote.s32 @p0 $0x1;
	_ =	sdelay $0x1  }
0xb2: {  	s6 =	simm.s32 @p0 $0x1B8D  }
0xb3: {  	_ =	swait.eq @p0 [sflag:s6], $0x1  }
0xb4: {  	[sflag:s6] =	ssyncadd.s32 @p0 $0xFFFFFFFF  }
0xb5: {  	s7 =	sshll.u32 @!p0 s1, $0xE  }
0xb6: {  	s7 =	sor.u32 @!p0 $0x4000, s7;
	s6 =	simm.s32 @!p0 $0x1B8D  }
0xb7: {  	s5 =	sshll.u32 @!p0 s5, $0x11;
	s7 =	sadd.s32 @!p0 $0x11B8D, s7;
	_ =	swait.eq @!p0 [sflag:s6], $0x1  }
0xb8: {  	s5 =	sor.u32 @!p0 s5, s7;
	[sflag:s6] =	ssyncadd.s32 @!p0 $0xFFFFFFFF  }
0xb9: {  	s25 =	simm.s32 $0x1B8E;
	s24 =	sld [smem:$0x3FFE];
	[sflag:s5] =	ssyncadd.remote.s32 @!p0 $0x1  }
0xba: {  	s26 =	simm.s32 $execute0_lowered;
	[smem:$0x3FD2] =	sst s25  }
0xbb: {  	s6 =	sshll.u32 s26, $0x1;
	_ =	strace $0x8000004C;
	[dreg:$0x1] =	wrdreg $0xFFFFFFFF  }
0xbc: {  	s28 =	simm.s32 $_size_execute0_lowered;
	s4 =	sadd.s32 s4, s6;
	[dreg:$0x0] =	wrdreg $0x0  }
0xbd: {  	s6 =	sshll.u32 s28, $0x1;
	[dreg:$0x2] =	wrdreg s4  }
0xbe: {  	[dreg:$0x3] =	wrdreg s6  }
0xbf: {  	[dreg:$0x4] =	wrdreg $0xC0  }
0xc0: {  	_ =	task [dreg:s22], $0x5FFFF  }
0xc1: {  	[dreg:$0x1] =	wrdreg $0xFFFFFFFF  }
0xc2: {  	[dreg:$0x0] =	wrdreg $0x60  }
0xc3: {  	[dreg:$0x2] =	wrdreg s24  }
0xc4: {  	[dreg:$0x3] =	wrdreg s17  }
0xc5: {  	[dreg:$0x4] =	wrdreg $0x9  }
0xc6: {  	_ =	task.clear_ibuf [dreg:s22], $0x5FFFF;
	_ =	strace $0x9000004C  }
0xc7: {  	s29 =	simm.s32 $0x9;
	_ =	strace $0x8000004E  }
0xc8: {  	_ =	swait.ge [sflag:s29], $0x1  }
0xc9: {  	[sflag:s29] =	ssyncadd.s32 $0xFFFFFFFF  }
0xca: {  	_ =	strace $0x9000004E  }
0xcb: {  	_ =	sfence  }
0xcc: {  	s30 =	sld [smem:$0x0];
	_ =	sdelay $0x2  }
0xcd: {  	s31 =	sshll.u32 s1, $0xD;
	s1 =	sshrl.u32 s1, $0x2  }
0xce: {  	s4 =	sand.u32 $0x4000, s31;
	s1 =	sadd.s32 s1, s30  }
0xcf: {  	s0 =	sor.u32 s4, s0;
	s1 =	sshll.u32 s1, $0x11  }
0xd0: {  	s0 =	sor.u32 s1, s0  }
0xd1: {  	s0 =	sadd.s32 $0x8F2B, s0  }
0xd2: {  	[sflag:s0] =	ssyncadd.remote.s32 $0x1  }
0xd3: {  	_ =	sfence.sel $0xFFFF  }
0xd4: {  	[dreg:$0x0] =	wrdreg $0xFFFFFFFF;
	(pc) =	sbr.abs _section_cstart, $3  }
0xd5: {  	[dreg:$0x1] =	wrdreg $0xFFFFFFFF  }
0xd6: {  	_ =	task.clear_ibuf [dreg:s22], $0x2FFFF;
	_ =	strace $0x9FFFFFFF  }
0xd7: {  	(tm) =	ssettm $0x7FFFFFFF  }
tec
execute0_lowered:
.L_overlay_start_1:
0x0: {  	(tag) =	ssettag $0x1  }
0x1: {  	s4 =	rddreg [dreg:$0x0]  }
0x2: {  	s5 =	rddreg [dreg:$0x1]  }
0x3: {  	s0 =	rddreg [dreg:$0x2];
	s2 =	simm.s32 $0x0;
	s1 =	srdreg.scid  }
0x4: {  	s11 =	simm.s32 $0x100;
	s12 =	simm.s32 $0x2900;
	s13 =	simm.s32 $0x1  }
0x5: {  	s14 =	simm.s32 $0x400;
	s15 =	simm.s32 $0x800;
	s6 =	sand.u32 $0x1, s1  }
0x6: {  	s16 =	simm.s32 $0x0;
	s1 =	stileid.u32;
	s7 =	smul.u32 $0x27100, s6  }
0x7: {  	[smem:$0x7FF] =	sst s2;
	s3 =	sadd.s32 $0x15600, s4;
	s8 =	smul.u32 $0x2710, s1  }
0x8: {  	_ =	strace $0x8000004D;
	s9 =	ssub.s32 $0x2, s6;
	s6 =	smul.u32 $0x4E2000, s6  }
0x9: {  	s10 =	smul.u32 $0x4E200, s1;
	s31 =	sshrl.u32 s9, $0x1;
	s7 =	sadd.s32 s8, s7  }
0xa: {  	s8 =	ssub.s32 s9, s31;
	s5 =	sadd.s32 s6, s5;
	s9 =	simm.s32 $0x80  }
0xb: {  	s7 =	sshrl.u32 s7, $0x3;
	s5 =	sadd.s32 s10, s5;
	s10 =	simm.s32 $0x50  }
0xc: {  	s7 =	sadd.s32 s7, s4;
	s4 =	smax.u32 s8, $0x1;
	s5 =	sadd.s32 $0x80, s5  }
0xd: {  	s8 =	simm.s32 $0x2;
	s6 =	sadd.s32 $0x1A00, s7;
	s7 =	sadd.s32 $0xB800, s7  }
.LBB2_1:
0xe: {  	s17 =	sadd.s32 $0x0, s7  }
0xf: {  	[tilespmem:s2], [sflag:$0x2] =	stream.linear.gather [hbm4b:s17+s2], $0x50, $0x38;
	[tilespmem:$0x5100] =	vst v63  }
0x10: {  	_ =	swait.ge [sflag:s8], $0x50  }
0x11: {  	[sflag:s8] =	ssyncset.done $0x0  }
0x12: {  	s30 =	sadd.s32 $0x0, s6;
	[sflag:s8] =	ssyncadd.s32 $0xFFFFFFB0  }
0x13: {  	[tilespmem:s9], [sflag:$0x2] =	stream.linear.gather [hbm4b:s30+s2], $0x50, $0x38;
	[tilespmem:$0x5100] =	vst v63  }
0x14: {  	_ =	swait.ge [sflag:s8], $0x50  }
0x15: {  	[sflag:s8] =	ssyncset.done $0x0  }
0x16: {  	[sflag:s8] =	ssyncadd.s32 $0xFFFFFFB0  }
0x17: {  	[tilespmem:s11], [sflag:$0x1] =	stream.indirect.gather [hbm4b:s3+s10], $0x80, s2, s10, $0xb8;
	[tilespmem:$0x5100] =	vst v63  }
0x18: {  	_ = 	snop  }
0x19: {  	[tilespmem:s12], [sflag:$0x1] =	stream.indirect.gather [hbm4b:s3+s10], $0x80, s9, s10, $0xb8;
	[tilespmem:$0x5100] =	vst v63  }
0x1a: {  	_ =	swait.ge [sflag:s13], $0x2800  }
0x1b: {  	[sflag:s13] =	ssyncset.done $0x0  }
0x1c: {  	[sflag:s13] =	ssyncadd.s32 $0xFFFFD800  }
0x1d: {  	_ =	swait.ge [sflag:s13], $0x2800  }
0x1e: {  	[sflag:s13] =	ssyncset.done $0x0  }
0x1f: {  	s31 =	sadd.s32 $0xFFFFFF80, s5;
	[sflag:s13] =	ssyncadd.s32 $0xFFFFD800  }
0x20: {  	[hbm4b:s31+s14] =	stream.strided.scatter [tilespmem:s11], [sflag:$0x2], $0x2800, s15, s14, $0x38;
	[tilespmem:$0x5100] =	vst v63  }
0x21: {  	_ =	swait.ge [sflag:s8], $0x2800  }
0x22: {  	[sflag:s8] =	ssyncset.done $0x0  }
0x23: {  	[sflag:s8] =	ssyncadd.s32 $0xFFFFD800  }
0x24: {  	[hbm4b:s5+s14] =	stream.strided.scatter [tilespmem:s12], [sflag:$0x2], $0x2800, s15, s14, $0x38;
	[tilespmem:$0x5100] =	vst v63  }
0x25: {  	s18 =	simm.s32 $0xA;
	_ =	swait.ge [sflag:s8], $0x2800  }
0x26: {  	s19 =	simm.s32 $0x14;
	s17 =	sadd.s32 $0xA00, s5;
	[sflag:s8] =	ssyncset.done $0x0  }
.LBB2_2:
0x27: {  	s20 =	sadd.s32 s18, s7  }
0x28: {  	[sflag:s8] =	ssyncadd.s32 $0xFFFFD800;
	s21 =	smov.u32 s19;
	s22 =	sadd.s32 $0xA, s19  }
0x29: {  	[tilespmem:s2], [sflag:$0x2] =	stream.linear.gather [hbm4b:s20+s2], $0x50, $0x38;
	[tilespmem:$0x5100] =	vst v63  }
0x2a: {  	p0 =	sne.s32 s19, $0x4D8;
	_ =	swait.ge [sflag:s8], $0x50  }
0x2b: {  	[sflag:s8] =	ssyncset.done $0x0  }
0x2c: {  	s19 =	sadd.s32 s18, s6;
	s18 =	smov.u32 s21;
	[sflag:s8] =	ssyncadd.s32 $0xFFFFFFB0  }
0x2d: {  	[tilespmem:s9], [sflag:$0x2] =	stream.linear.gather [hbm4b:s19+s2], $0x50, $0x38;
	[tilespmem:$0x5100] =	vst v63  }
0x2e: {  	_ =	swait.ge [sflag:s8], $0x50  }
0x2f: {  	[sflag:s8] =	ssyncset.done $0x0  }
0x30: {  	[sflag:s8] =	ssyncadd.s32 $0xFFFFFFB0  }
0x31: {  	[tilespmem:s11], [sflag:$0x1] =	stream.indirect.gather [hbm4b:s3+s10], $0x80, s2, s10, $0xb8;
	[tilespmem:$0x5100] =	vst v63  }
0x32: {  	_ = 	snop  }
0x33: {  	[tilespmem:s12], [sflag:$0x1] =	stream.indirect.gather [hbm4b:s3+s10], $0x80, s9, s10, $0xb8;
	[tilespmem:$0x5100] =	vst v63  }
0x34: {  	_ =	swait.ge [sflag:s13], $0x2800  }
0x35: {  	[sflag:s13] =	ssyncset.done $0x0  }
0x36: {  	[sflag:s13] =	ssyncadd.s32 $0xFFFFD800  }
0x37: {  	_ =	swait.ge [sflag:s13], $0x2800  }
0x38: {  	[sflag:s13] =	ssyncset.done $0x0  }
0x39: {  	s19 =	sadd.s32 $0xFFFFFF80, s17;
	[sflag:s13] =	ssyncadd.s32 $0xFFFFD800  }
0x3a: {  	[hbm4b:s19+s14] =	stream.strided.scatter [tilespmem:s11], [sflag:$0x2], $0x2800, s15, s14, $0x38;
	[tilespmem:$0x5100] =	vst v63  }
0x3b: {  	_ =	swait.ge [sflag:s8], $0x2800  }
.Ltmp0:
0x3c: {  	[sflag:s8] =	ssyncset.done $0x0;
	(pc) =	sbr.rel @p0 .LBB2_2-.Ltmp0, $4  }
0x3d: {  	[sflag:s8] =	ssyncadd.s32 $0xFFFFD800  }
0x3e: {  	[hbm4b:s17+s14] =	stream.strided.scatter [tilespmem:s12], [sflag:$0x2], $0x2800, s15, s14, $0x38;
	[tilespmem:$0x5100] =	vst v63  }
0x3f: {  	_ =	swait.ge [sflag:s8], $0x2800  }
0x40: {  	s19 =	smov.u32 s22;
	s17 =	sadd.s32 $0xA00, s17;
	[sflag:s8] =	ssyncset.done $0x0  }
0x41: {  	s19 =	sadd.s32 s18, s7;
	[sflag:s8] =	ssyncadd.s32 $0xFFFFD800  }
0x42: {  	[tilespmem:s2], [sflag:$0x2] =	stream.linear.gather [hbm4b:s19+s2], $0x50, $0x38;
	[tilespmem:$0x5100] =	vst v63  }
0x43: {  	_ =	swait.ge [sflag:s8], $0x50  }
0x44: {  	[sflag:s8] =	ssyncset.done $0x0  }
0x45: {  	s30 =	sadd.s32 s18, s6;
	[sflag:s8] =	ssyncadd.s32 $0xFFFFFFB0  }
0x46: {  	[tilespmem:s9], [sflag:$0x2] =	stream.linear.gather [hbm4b:s30+s2], $0x50, $0x38;
	[tilespmem:$0x5100] =	vst v63  }
0x47: {  	_ =	swait.ge [sflag:s8], $0x50  }
0x48: {  	[sflag:s8] =	ssyncset.done $0x0  }
0x49: {  	[sflag:s8] =	ssyncadd.s32 $0xFFFFFFB0  }
0x4a: {  	[tilespmem:s11], [sflag:$0x1] =	stream.indirect.gather [hbm4b:s3+s10], $0x80, s2, s10, $0xb8;
	[tilespmem:$0x5100] =	vst v63  }
0x4b: {  	_ = 	snop  }
0x4c: {  	[tilespmem:s12], [sflag:$0x1] =	stream.indirect.gather [hbm4b:s3+s10], $0x80, s9, s10, $0xb8;
	[tilespmem:$0x5100] =	vst v63  }
0x4d: {  	_ =	swait.ge [sflag:s13], $0x2800  }
0x4e: {  	[sflag:s13] =	ssyncset.done $0x0  }
0x4f: {  	[sflag:s13] =	ssyncadd.s32 $0xFFFFD800  }
0x50: {  	_ =	swait.ge [sflag:s13], $0x2800  }
0x51: {  	[sflag:s13] =	ssyncset.done $0x0  }
0x52: {  	s31 =	sadd.s32 $0xFFFFFF80, s17;
	[sflag:s13] =	ssyncadd.s32 $0xFFFFD800  }
0x53: {  	[hbm4b:s31+s14] =	stream.strided.scatter [tilespmem:s11], [sflag:$0x2], $0x2800, s15, s14, $0x38;
	[tilespmem:$0x5100] =	vst v63  }
0x54: {  	s16 =	sadd.s32 $0x1, s16;
	_ =	swait.ge [sflag:s8], $0x2800  }
0x55: {  	p0 =	sne.s32 s16, s4;
	[sflag:s8] =	ssyncset.done $0x0  }
.Ltmp1:
0x56: {  	[sflag:s8] =	ssyncadd.s32 $0xFFFFD800;
	(pc) =	sbr.rel @p0 .LBB2_1-.Ltmp1, $4  }
0x57: {  	[hbm4b:s17+s14] =	stream.strided.scatter [tilespmem:s12], [sflag:$0x2], $0x2800, s15, s14, $0x38;
	[tilespmem:$0x5100] =	vst v63  }
0x58: {  	_ =	swait.ge [sflag:s8], $0x2800  }
0x59: {  	[sflag:s8] =	ssyncset.done $0x0  }
0x5a: {  	[sflag:s8] =	ssyncadd.s32 $0xFFFFD800  }
0x5b: {  	_ =	sfence.sel $0x180000  }
0x5c: {  	[bflag:$0x0] =	sbarrier.arrive $0xFFFF  }
0x5d: {  	p0 =	sne.s32 s1, $0x0;
	_ =	strace $0x9000004D  }
0x5e: {  	s0 =	sadd.s32 @!p0 $0x100000, s0;
	[bflag:$0x2] =	sbarrier.arrive $0xFFFF  }
0x5f: {  	[sflag:s0] =	ssyncadd.tile.s32 @!p0 $0x1;
	_ =	shalt  }
.Lfunc_end2:
_tile_overlayer_lowered:
.L_overlay_start_2:
0x60: {  	(tag) =	ssettag $0x2  }
0x61: {  	s0 =	rddreg [dreg:$0x0];
	s2 =	stileid.u32  }
0x62: {  	s1 =	rddreg [dreg:$0x1];
	p0 =	sne.s32 s2, $0x0  }
0x63: {  	s3 =	rddreg [dreg:$0x2];
	[bflag:$0x3] =	sbarrier.arrive $0xFFFF;
	s2 =	simm.s32 @!p0 $0x1C02  }
0x64: {  	[timem:s3], [sflag:s2] =	dma.local @!p0 [hbm:s0], s1  }
0x65: {  	s0 =	simm.s32 @!p0 $0x2  }
0x66: {  	_ =	swait.ge @!p0 [sflag:s0], s1  }
0x67: {  	s1 =	ssub.s32 @!p0 $0x0, s1;
	[sflag:s0] =	ssyncset.done @!p0 $0x0  }
0x68: {  	[sflag:s0] =	ssyncadd.s32 @!p0 s1  }
0x69: {  	[bflag:$0x3] =	sbarrier.arrive $0xFFFF  }
0x6a: {  	_ =	shalt  }

</sc_bundles>
